<compile_context>
chip_gen: v7x
topology: tpu7x:2x2x1
jax: 0.10.2.dev20260603
libtpu: 0.0.44.dev20260713+nightly
codegen_flags: <defaults>
</compile_context>

<pallas_src>
import functools

import jax
import jax.numpy as jnp
from jax import lax
from jax.experimental import pallas as pl
from jax.experimental.pallas import tpu as pltpu, tpu_sc as plsc

N = 10000
K = 32
ROWS_PER_W = 313
VREGS = N // 16
UNROLL = 5
TOP_BITS = 0x7F800000
PROBE_HI = 0x40466666
PROBE_LO = 0x401CCCCD


def _splat(v):
    return jnp.full((16,), v, jnp.int32)


def _sc_kernel_body(a_hbm, out_hbm, row_buf):
    nc = 2
    wid = lax.axis_index("s") * nc + lax.axis_index("c")

    def do_row(r):
        pltpu.sync_copy(a_hbm.at[r], row_buf)

        def count(mid):
            mid_f = lax.bitcast_convert_type(_splat(mid), jnp.float32)

            def cbody(j, acc):
                for u in range(UNROLL):
                    v = row_buf[pl.ds((j * UNROLL + u) * 16, 16)]
                    acc = acc + jnp.where(v >= mid_f, 1, 0)
                return acc

            acc = lax.fori_loop(0, VREGS // UNROLL, cbody,
                                jnp.zeros((16,), jnp.int32))
            cnt = acc[0]
            for i in range(1, 16):
                cnt = cnt + acc[i]
            return cnt

        def bstep(mid, lo, hi, cnt_lo):
            cnt = count(mid)
            take_hi = cnt >= K
            return (jnp.where(take_hi, mid, lo), jnp.where(take_hi, hi, mid),
                    jnp.where(take_hi, cnt, cnt_lo))

        lo, hi, cnt_lo = bstep(PROBE_HI, 0, TOP_BITS, N)
        lo, hi, cnt_lo = bstep(jnp.maximum(PROBE_LO, lo), lo, hi, cnt_lo)

        def iter_body(_, c):
            lo, hi, cnt_lo = c

            def active(c2):
                lo2, hi2, cl2 = c2
                mid = lo2 + lax.shift_right_logical(hi2 - lo2, 1)
                return bstep(mid, lo2, hi2, cl2)

            unsettled = jnp.logical_and(cnt_lo != K, hi - lo > 1)
            return lax.cond(unsettled, active, lambda c2: c2, (lo, hi, cnt_lo))

        lo, _, _ = lax.fori_loop(0, 31, iter_body, (lo, hi, cnt_lo))

        lo_f = lax.bitcast_convert_type(_splat(lo), jnp.float32)

        def mbody(j, carry):
            for u in range(UNROLL):
                sl = pl.ds((j * UNROLL + u) * 16, 16)
                v = row_buf[sl]
                row_buf[sl] = jnp.where(v >= lo_f, v, 0.0)
            return carry

        lax.fori_loop(0, VREGS // UNROLL, mbody, 0)
        pltpu.sync_copy(row_buf, out_hbm.at[r])

    def row_body(i, carry):
        r = wid * ROWS_PER_W + i

        @pl.when(r < N)
        def _():
            do_row(r)

        return carry

    lax.fori_loop(0, ROWS_PER_W, row_body, 0)


@jax.jit
def _sc_topk_mask(a):
    mesh = plsc.VectorSubcoreMesh(core_axis_name="c", subcore_axis_name="s")
    fn = functools.partial(
        pl.kernel,
        mesh=mesh,
        out_type=jax.ShapeDtypeStruct((N, N), jnp.float32),
        scratch_types=[pltpu.VMEM((N,), jnp.float32)],
    )(_sc_kernel_body)
    return fn(a)


def kernel(idx, A_param):
    del idx
    return _sc_topk_mask(A_param)

# --- scband reference (transcript-rebuilt; emitter-appended) ---
"""Pipeline reference for scband-graph-re-lu-w-with-prior-11940009082915 (READ-ONLY COPY).

The authoritative reference and input builder live on the scoring server;
editing this copy changes nothing except your own understanding.
"""

import jax, jax.numpy as jnp
import numpy as np

N_NODES = 10000
K = 32

def setup_inputs(seed: int = 0) -> dict:
    key = jax.random.key(seed)
    k1, k2 = jax.random.split(key)
    idx = jnp.arange(N_NODES, dtype=jnp.int64) if jax.config.jax_enable_x64 else jnp.arange(N_NODES, dtype=jnp.int32)
    A_param = jax.random.normal(k1, (N_NODES, N_NODES), dtype=jnp.float32)
    return {"idx": idx, "A_param": A_param}

def reference(idx, A_param):
    # A_prior is None, so adj = relu(A_param)
    adj = jax.nn.relu(A_param)
    # top-k along dim=1, build binary mask via scatter of 1.0, then elementwise multiply
    _, indices = jax.lax.top_k(adj, K)
    row_idx = jnp.arange(adj.shape[0])[:, None]
    mask = jnp.zeros_like(adj).at[row_idx, indices].set(1.0)
    adj = adj * mask
    return adj

if __name__ == "__main__":
    import jax
    _d = setup_inputs()
    print(jax.jit(kernel)(*tuple(_d.values())))

</pallas_src>

<mosaic_0001>
#map = affine_map<(d0, d1) -> (0, 0)>
module attributes {stable_mosaic.version = 14 : i64} {
  func.func @_sc_kernel_body(%arg0: i32, %arg1: i32, %arg2: memref<10000x10000xf32, #tpu.memory_space<hbm>>, %arg3: memref<10000x10000xf32, #tpu.memory_space<hbm>>, %arg4: memref<10000xf32, #tpu.memory_space<vmem>>) attributes {dimension_semantics = [#tpu.dimension_semantics<core_parallel>, #tpu.dimension_semantics<subcore_parallel>], iteration_bounds = array<i64: 2, 16>, scalar_prefetch = 0 : i64, scratch_operands = 1 : i64, tpu.core_type = #tpu.core_type<sc_vector_subcore>, window_params = [{transform_indices = #map}, {transform_indices = #map}]} {
    %mul3A = arith.constant 2 : i32
    %mul3A_0 = arith.muli %arg1, %mul3A : i32
    %add3A = arith.addi %mul3A_0, %arg0 : i32
    %scan3A = arith.constant 0 : i32
    %scan3A_1 = arith.constant 0 : i32
    %scan3A_2 = arith.constant 313 : i32
    %scan3A_3 = arith.addi %scan3A_1, %scan3A_2 : i32
    %scan3A_4 = arith.constant 1 : i32
    scf.for %scan3A_6 = %scan3A_1 to %scan3A_3 step %scan3A_4  : i32 {
      %mul3A_7 = arith.constant 313 : i32
      %mul3A_8 = arith.muli %add3A, %mul3A_7 : i32
      %add3A_9 = arith.addi %mul3A_8, %scan3A_6 : i32
      %lt3A = arith.constant 10000 : i32
      %lt3A_10 = arith.cmpi slt, %add3A_9, %lt3A : i32
      %convert_element_type3A = arith.extui %lt3A_10 : i1 to i32
      %cond3A = arith.constant 0 : i32
      %cond3A_11 = arith.cmpi ne, %convert_element_type3A, %cond3A : i32
      scf.if %cond3A_11 {
        "tpu.region"() ({
          %run_scoped3A = tpu.sem_alloc : memref<!tpu.dma_semaphore, #tpu.memory_space<semaphore_mem>>
          %dma_start3A = arith.constant 0 : i32
          %dma_start3A_150 = tpu.memref_slice %arg2[%add3A_9, %dma_start3A] : memref<10000x10000xf32, #tpu.memory_space<hbm>> -> memref<1x10000xf32, #tpu.memory_space<hbm>>
          %dma_start3A_151 = tpu.memref_squeeze %dma_start3A_150 : memref<1x10000xf32, #tpu.memory_space<hbm>> -> memref<10000xf32, #tpu.memory_space<hbm>>
          %dma_start3A_152 = arith.constant 0 : i32
          %dma_start3A_153 = tpu.memref_slice %arg2[%add3A_9, %dma_start3A_152] : memref<10000x10000xf32, #tpu.memory_space<hbm>> -> memref<1x10000xf32, #tpu.memory_space<hbm>>
          %dma_start3A_154 = tpu.memref_squeeze %dma_start3A_153 : memref<1x10000xf32, #tpu.memory_space<hbm>> -> memref<10000xf32, #tpu.memory_space<hbm>>
          tpu.enqueue_dma source(%dma_start3A_154 : memref<10000xf32, #tpu.memory_space<hbm>>) target(%arg4 : memref<10000xf32, #tpu.memory_space<vmem>>) target_semaphore(%run_scoped3A : memref<!tpu.dma_semaphore, #tpu.memory_space<semaphore_mem>>)
          %dma_wait3A = arith.constant 0 : i32
          %dma_wait3A_155 = tpu.memref_slice %arg2[%add3A_9, %dma_wait3A] : memref<10000x10000xf32, #tpu.memory_space<hbm>> -> memref<1x10000xf32, #tpu.memory_space<hbm>>
          %dma_wait3A_156 = tpu.memref_squeeze %dma_wait3A_155 : memref<1x10000xf32, #tpu.memory_space<hbm>> -> memref<10000xf32, #tpu.memory_space<hbm>>
          %dma_wait3A_157 = arith.constant 0 : i32
          %dma_wait3A_158 = tpu.memref_slice %arg2[%add3A_9, %dma_wait3A_157] : memref<10000x10000xf32, #tpu.memory_space<hbm>> -> memref<1x10000xf32, #tpu.memory_space<hbm>>
          %dma_wait3A_159 = tpu.memref_squeeze %dma_wait3A_158 : memref<1x10000xf32, #tpu.memory_space<hbm>> -> memref<10000xf32, #tpu.memory_space<hbm>>
          tpu.wait_dma2 semaphore(%run_scoped3A : memref<!tpu.dma_semaphore, #tpu.memory_space<semaphore_mem>>) src(%dma_wait3A_159 : memref<10000xf32, #tpu.memory_space<hbm>>) dst(%arg4 : memref<10000xf32, #tpu.memory_space<vmem>>)
          tpu.yield
        }) : () -> ()
        %broadcast_in_dim3A = arith.constant 1078355558 : i32
        %broadcast_in_dim3A_12 = vector.broadcast %broadcast_in_dim3A : i32 to vector<16xi32>
        %bitcast_convert_type3A = tpu.bitcast %broadcast_in_dim3A_12 : vector<16xi32> -> vector<16xf32>
        %broadcast_in_dim3A_13 = arith.constant 0 : i32
        %broadcast_in_dim3A_14 = vector.broadcast %broadcast_in_dim3A_13 : i32 to vector<16xi32>
        %scan3A_15 = arith.constant 0 : i32
        %scan3A_16 = arith.constant 125 : i32
        %scan3A_17 = arith.addi %scan3A_15, %scan3A_16 : i32
        %scan3A_18 = arith.constant 1 : i32
        %scan3A_19 = scf.for %scan3A_150 = %scan3A_15 to %scan3A_17 step %scan3A_18 iter_args(%scan3A_151 = %broadcast_in_dim3A_14) -> (vector<16xi32>)  : i32 {
          %mul3A_152 = arith.constant 5 : i32
          %mul3A_153 = arith.muli %scan3A_150, %mul3A_152 : i32
          %add3A_154 = arith.constant 0 : i32
          %add3A_155 = arith.addi %mul3A_153, %add3A_154 : i32
          %mul3A_156 = arith.constant 16 : i32
          %mul3A_157 = arith.muli %add3A_155, %mul3A_156 : i32
          %get3A = arith.index_cast %mul3A_157 : i32 to index
          %get3A_158 = tpu.vector_load %arg4[%get3A] {strides = array<i32>} : memref<10000xf32, #tpu.memory_space<vmem>>, vector<16xf32>,
          %get3A_159 = vector.shape_cast %get3A_158 : vector<16xf32> to vector<16xf32>
          %ge3A_160 = arith.cmpf oge, %get3A_159, %bitcast_convert_type3A : vector<16xf32>
          %jit3A_161 = arith.constant 1 : i32
          %jit3A_162 = arith.constant 0 : i32
          %broadcast_in_dim3A_163 = vector.broadcast %jit3A_161 : i32 to vector<16xi32>
          %broadcast_in_dim3A_164 = vector.broadcast %jit3A_162 : i32 to vector<16xi32>
          %select_n3A_165 = arith.select %ge3A_160, %broadcast_in_dim3A_163, %broadcast_in_dim3A_164 : vector<16xi1>, vector<16xi32>
          %add3A_166 = arith.addi %scan3A_151, %select_n3A_165 : vector<16xi32>
          %mul3A_167 = arith.constant 5 : i32
          %mul3A_168 = arith.muli %scan3A_150, %mul3A_167 : i32
          %add3A_169 = arith.constant 1 : i32
          %add3A_170 = arith.addi %mul3A_168, %add3A_169 : i32
          %mul3A_171 = arith.constant 16 : i32
          %mul3A_172 = arith.muli %add3A_170, %mul3A_171 : i32
          %get3A_173 = arith.index_cast %mul3A_172 : i32 to index
          %get3A_174 = tpu.vector_load %arg4[%get3A_173] {strides = array<i32>} : memref<10000xf32, #tpu.memory_space<vmem>>, vector<16xf32>,
          %get3A_175 = vector.shape_cast %get3A_174 : vector<16xf32> to vector<16xf32>
          %ge3A_176 = arith.cmpf oge, %get3A_175, %bitcast_convert_type3A : vector<16xf32>
          %jit3A_177 = arith.constant 1 : i32
          %jit3A_178 = arith.constant 0 : i32
          %broadcast_in_dim3A_179 = vector.broadcast %jit3A_177 : i32 to vector<16xi32>
          %broadcast_in_dim3A_180 = vector.broadcast %jit3A_178 : i32 to vector<16xi32>
          %select_n3A_181 = arith.select %ge3A_176, %broadcast_in_dim3A_179, %broadcast_in_dim3A_180 : vector<16xi1>, vector<16xi32>
          %add3A_182 = arith.addi %add3A_166, %select_n3A_181 : vector<16xi32>
          %mul3A_183 = arith.constant 5 : i32
          %mul3A_184 = arith.muli %scan3A_150, %mul3A_183 : i32
          %add3A_185 = arith.constant 2 : i32
          %add3A_186 = arith.addi %mul3A_184, %add3A_185 : i32
          %mul3A_187 = arith.constant 16 : i32
          %mul3A_188 = arith.muli %add3A_186, %mul3A_187 : i32
          %get3A_189 = arith.index_cast %mul3A_188 : i32 to index
          %get3A_190 = tpu.vector_load %arg4[%get3A_189] {strides = array<i32>} : memref<10000xf32, #tpu.memory_space<vmem>>, vector<16xf32>,
          %get3A_191 = vector.shape_cast %get3A_190 : vector<16xf32> to vector<16xf32>
          %ge3A_192 = arith.cmpf oge, %get3A_191, %bitcast_convert_type3A : vector<16xf32>
          %jit3A_193 = arith.constant 1 : i32
          %jit3A_194 = arith.constant 0 : i32
          %broadcast_in_dim3A_195 = vector.broadcast %jit3A_193 : i32 to vector<16xi32>
          %broadcast_in_dim3A_196 = vector.broadcast %jit3A_194 : i32 to vector<16xi32>
          %select_n3A_197 = arith.select %ge3A_192, %broadcast_in_dim3A_195, %broadcast_in_dim3A_196 : vector<16xi1>, vector<16xi32>
          %add3A_198 = arith.addi %add3A_182, %select_n3A_197 : vector<16xi32>
          %mul3A_199 = arith.constant 5 : i32
          %mul3A_200 = arith.muli %scan3A_150, %mul3A_199 : i32
          %add3A_201 = arith.constant 3 : i32
          %add3A_202 = arith.addi %mul3A_200, %add3A_201 : i32
          %mul3A_203 = arith.constant 16 : i32
          %mul3A_204 = arith.muli %add3A_202, %mul3A_203 : i32
          %get3A_205 = arith.index_cast %mul3A_204 : i32 to index
          %get3A_206 = tpu.vector_load %arg4[%get3A_205] {strides = array<i32>} : memref<10000xf32, #tpu.memory_space<vmem>>, vector<16xf32>,
          %get3A_207 = vector.shape_cast %get3A_206 : vector<16xf32> to vector<16xf32>
          %ge3A_208 = arith.cmpf oge, %get3A_207, %bitcast_convert_type3A : vector<16xf32>
          %jit3A_209 = arith.constant 1 : i32
          %jit3A_210 = arith.constant 0 : i32
          %broadcast_in_dim3A_211 = vector.broadcast %jit3A_209 : i32 to vector<16xi32>
          %broadcast_in_dim3A_212 = vector.broadcast %jit3A_210 : i32 to vector<16xi32>
          %select_n3A_213 = arith.select %ge3A_208, %broadcast_in_dim3A_211, %broadcast_in_dim3A_212 : vector<16xi1>, vector<16xi32>
          %add3A_214 = arith.addi %add3A_198, %select_n3A_213 : vector<16xi32>
          %mul3A_215 = arith.constant 5 : i32
          %mul3A_216 = arith.muli %scan3A_150, %mul3A_215 : i32
          %add3A_217 = arith.constant 4 : i32
          %add3A_218 = arith.addi %mul3A_216, %add3A_217 : i32
          %mul3A_219 = arith.constant 16 : i32
          %mul3A_220 = arith.muli %add3A_218, %mul3A_219 : i32
          %get3A_221 = arith.index_cast %mul3A_220 : i32 to index
          %get3A_222 = tpu.vector_load %arg4[%get3A_221] {strides = array<i32>} : memref<10000xf32, #tpu.memory_space<vmem>>, vector<16xf32>,
          %get3A_223 = vector.shape_cast %get3A_222 : vector<16xf32> to vector<16xf32>
          %ge3A_224 = arith.cmpf oge, %get3A_223, %bitcast_convert_type3A : vector<16xf32>
          %jit3A_225 = arith.constant 1 : i32
          %jit3A_226 = arith.constant 0 : i32
          %broadcast_in_dim3A_227 = vector.broadcast %jit3A_225 : i32 to vector<16xi32>
          %broadcast_in_dim3A_228 = vector.broadcast %jit3A_226 : i32 to vector<16xi32>
          %select_n3A_229 = arith.select %ge3A_224, %broadcast_in_dim3A_227, %broadcast_in_dim3A_228 : vector<16xi1>, vector<16xi32>
          %add3A_230 = arith.addi %add3A_214, %select_n3A_229 : vector<16xi32>
          scf.yield %add3A_230 : vector<16xi32>
        }
        %scan3A_20 = arith.constant 125 : i32
        %slice3A = vector.extract_strided_slice %scan3A_19 {offsets = [0], sizes = [1], strides = [1]} : vector<16xi32> to vector<1xi32>
        %squeeze3A = vector.extract %slice3A[0] : i32 from vector<1xi32>
        %slice3A_21 = vector.extract_strided_slice %scan3A_19 {offsets = [1], sizes = [1], strides = [1]} : vector<16xi32> to vector<1xi32>
        %squeeze3A_22 = vector.extract %slice3A_21[0] : i32 from vector<1xi32>
        %add3A_23 = arith.addi %squeeze3A, %squeeze3A_22 : i32
        %slice3A_24 = vector.extract_strided_slice %scan3A_19 {offsets = [2], sizes = [1], strides = [1]} : vector<16xi32> to vector<1xi32>
        %squeeze3A_25 = vector.extract %slice3A_24[0] : i32 from vector<1xi32>
        %add3A_26 = arith.addi %add3A_23, %squeeze3A_25 : i32
        %slice3A_27 = vector.extract_strided_slice %scan3A_19 {offsets = [3], sizes = [1], strides = [1]} : vector<16xi32> to vector<1xi32>
        %squeeze3A_28 = vector.extract %slice3A_27[0] : i32 from vector<1xi32>
        %add3A_29 = arith.addi %add3A_26, %squeeze3A_28 : i32
        %slice3A_30 = vector.extract_strided_slice %scan3A_19 {offsets = [4], sizes = [1], strides = [1]} : vector<16xi32> to vector<1xi32>
        %squeeze3A_31 = vector.extract %slice3A_30[0] : i32 from vector<1xi32>
        %add3A_32 = arith.addi %add3A_29, %squeeze3A_31 : i32
        %slice3A_33 = vector.extract_strided_slice %scan3A_19 {offsets = [5], sizes = [1], strides = [1]} : vector<16xi32> to vector<1xi32>
        %squeeze3A_34 = vector.extract %slice3A_33[0] : i32 from vector<1xi32>
        %add3A_35 = arith.addi %add3A_32, %squeeze3A_34 : i32
        %slice3A_36 = vector.extract_strided_slice %scan3A_19 {offsets = [6], sizes = [1], strides = [1]} : vector<16xi32> to vector<1xi32>
        %squeeze3A_37 = vector.extract %slice3A_36[0] : i32 from vector<1xi32>
        %add3A_38 = arith.addi %add3A_35, %squeeze3A_37 : i32
        %slice3A_39 = vector.extract_strided_slice %scan3A_19 {offsets = [7], sizes = [1], strides = [1]} : vector<16xi32> to vector<1xi32>
        %squeeze3A_40 = vector.extract %slice3A_39[0] : i32 from vector<1xi32>
        %add3A_41 = arith.addi %add3A_38, %squeeze3A_40 : i32
        %slice3A_42 = vector.extract_strided_slice %scan3A_19 {offsets = [8], sizes = [1], strides = [1]} : vector<16xi32> to vector<1xi32>
        %squeeze3A_43 = vector.extract %slice3A_42[0] : i32 from vector<1xi32>
        %add3A_44 = arith.addi %add3A_41, %squeeze3A_43 : i32
        %slice3A_45 = vector.extract_strided_slice %scan3A_19 {offsets = [9], sizes = [1], strides = [1]} : vector<16xi32> to vector<1xi32>
        %squeeze3A_46 = vector.extract %slice3A_45[0] : i32 from vector<1xi32>
        %add3A_47 = arith.addi %add3A_44, %squeeze3A_46 : i32
        %slice3A_48 = vector.extract_strided_slice %scan3A_19 {offsets = [10], sizes = [1], strides = [1]} : vector<16xi32> to vector<1xi32>
        %squeeze3A_49 = vector.extract %slice3A_48[0] : i32 from vector<1xi32>
        %add3A_50 = arith.addi %add3A_47, %squeeze3A_49 : i32
        %slice3A_51 = vector.extract_strided_slice %scan3A_19 {offsets = [11], sizes = [1], strides = [1]} : vector<16xi32> to vector<1xi32>
        %squeeze3A_52 = vector.extract %slice3A_51[0] : i32 from vector<1xi32>
        %add3A_53 = arith.addi %add3A_50, %squeeze3A_52 : i32
        %slice3A_54 = vector.extract_strided_slice %scan3A_19 {offsets = [12], sizes = [1], strides = [1]} : vector<16xi32> to vector<1xi32>
        %squeeze3A_55 = vector.extract %slice3A_54[0] : i32 from vector<1xi32>
        %add3A_56 = arith.addi %add3A_53, %squeeze3A_55 : i32
        %slice3A_57 = vector.extract_strided_slice %scan3A_19 {offsets = [13], sizes = [1], strides = [1]} : vector<16xi32> to vector<1xi32>
        %squeeze3A_58 = vector.extract %slice3A_57[0] : i32 from vector<1xi32>
        %add3A_59 = arith.addi %add3A_56, %squeeze3A_58 : i32
        %slice3A_60 = vector.extract_strided_slice %scan3A_19 {offsets = [14], sizes = [1], strides = [1]} : vector<16xi32> to vector<1xi32>
        %squeeze3A_61 = vector.extract %slice3A_60[0] : i32 from vector<1xi32>
        %add3A_62 = arith.addi %add3A_59, %squeeze3A_61 : i32
        %slice3A_63 = vector.extract_strided_slice %scan3A_19 {offsets = [15], sizes = [1], strides = [1]} : vector<16xi32> to vector<1xi32>
        %squeeze3A_64 = vector.extract %slice3A_63[0] : i32 from vector<1xi32>
        %add3A_65 = arith.addi %add3A_62, %squeeze3A_64 : i32
        %ge3A = arith.constant 32 : i32
        %ge3A_66 = arith.cmpi sge, %add3A_65, %ge3A : i32
        %jit3A = arith.constant 1078355558 : i32
        %jit3A_67 = arith.constant 0 : i32
        %select_n3A = arith.select %ge3A_66, %jit3A, %jit3A_67 : i32
        %jit3A_68 = arith.constant 2139095040 : i32
        %jit3A_69 = arith.constant 1078355558 : i32
        %select_n3A_70 = arith.select %ge3A_66, %jit3A_68, %jit3A_69 : i32
        %jit3A_71 = arith.constant 10000 : i32
        %select_n3A_72 = arith.select %ge3A_66, %add3A_65, %jit3A_71 : i32
        %max3A = arith.constant 1075629261 : i32
        %max3A_73 = arith.maxsi %max3A, %select_n3A : i32
        %broadcast_in_dim3A_74 = vector.broadcast %max3A_73 : i32 to vector<16xi32>
        %bitcast_convert_type3A_75 = tpu.bitcast %broadcast_in_dim3A_74 : vector<16xi32> -> vector<16xf32>
        %broadcast_in_dim3A_76 = arith.constant 0 : i32
        %broadcast_in_dim3A_77 = vector.broadcast %broadcast_in_dim3A_76 : i32 to vector<16xi32>
        %scan3A_78 = arith.constant 0 : i32
        %scan3A_79 = arith.constant 125 : i32
        %scan3A_80 = arith.addi %scan3A_78, %scan3A_79 : i32
        %scan3A_81 = arith.constant 1 : i32
        %scan3A_82 = scf.for %scan3A_150 = %scan3A_78 to %scan3A_80 step %scan3A_81 iter_args(%scan3A_151 = %broadcast_in_dim3A_77) -> (vector<16xi32>)  : i32 {
          %mul3A_152 = arith.constant 5 : i32
          %mul3A_153 = arith.muli %scan3A_150, %mul3A_152 : i32
          %add3A_154 = arith.constant 0 : i32
          %add3A_155 = arith.addi %mul3A_153, %add3A_154 : i32
          %mul3A_156 = arith.constant 16 : i32
          %mul3A_157 = arith.muli %add3A_155, %mul3A_156 : i32
          %get3A = arith.index_cast %mul3A_157 : i32 to index
          %get3A_158 = tpu.vector_load %arg4[%get3A] {strides = array<i32>} : memref<10000xf32, #tpu.memory_space<vmem>>, vector<16xf32>,
          %get3A_159 = vector.shape_cast %get3A_158 : vector<16xf32> to vector<16xf32>
          %ge3A_160 = arith.cmpf oge, %get3A_159, %bitcast_convert_type3A_75 : vector<16xf32>
          %jit3A_161 = arith.constant 1 : i32
          %jit3A_162 = arith.constant 0 : i32
          %broadcast_in_dim3A_163 = vector.broadcast %jit3A_161 : i32 to vector<16xi32>
          %broadcast_in_dim3A_164 = vector.broadcast %jit3A_162 : i32 to vector<16xi32>
          %select_n3A_165 = arith.select %ge3A_160, %broadcast_in_dim3A_163, %broadcast_in_dim3A_164 : vector<16xi1>, vector<16xi32>
          %add3A_166 = arith.addi %scan3A_151, %select_n3A_165 : vector<16xi32>
          %mul3A_167 = arith.constant 5 : i32
          %mul3A_168 = arith.muli %scan3A_150, %mul3A_167 : i32
          %add3A_169 = arith.constant 1 : i32
          %add3A_170 = arith.addi %mul3A_168, %add3A_169 : i32
          %mul3A_171 = arith.constant 16 : i32
          %mul3A_172 = arith.muli %add3A_170, %mul3A_171 : i32
          %get3A_173 = arith.index_cast %mul3A_172 : i32 to index
          %get3A_174 = tpu.vector_load %arg4[%get3A_173] {strides = array<i32>} : memref<10000xf32, #tpu.memory_space<vmem>>, vector<16xf32>,
          %get3A_175 = vector.shape_cast %get3A_174 : vector<16xf32> to vector<16xf32>
          %ge3A_176 = arith.cmpf oge, %get3A_175, %bitcast_convert_type3A_75 : vector<16xf32>
          %jit3A_177 = arith.constant 1 : i32
          %jit3A_178 = arith.constant 0 : i32
          %broadcast_in_dim3A_179 = vector.broadcast %jit3A_177 : i32 to vector<16xi32>
          %broadcast_in_dim3A_180 = vector.broadcast %jit3A_178 : i32 to vector<16xi32>
          %select_n3A_181 = arith.select %ge3A_176, %broadcast_in_dim3A_179, %broadcast_in_dim3A_180 : vector<16xi1>, vector<16xi32>
          %add3A_182 = arith.addi %add3A_166, %select_n3A_181 : vector<16xi32>
          %mul3A_183 = arith.constant 5 : i32
          %mul3A_184 = arith.muli %scan3A_150, %mul3A_183 : i32
          %add3A_185 = arith.constant 2 : i32
          %add3A_186 = arith.addi %mul3A_184, %add3A_185 : i32
          %mul3A_187 = arith.constant 16 : i32
          %mul3A_188 = arith.muli %add3A_186, %mul3A_187 : i32
          %get3A_189 = arith.index_cast %mul3A_188 : i32 to index
          %get3A_190 = tpu.vector_load %arg4[%get3A_189] {strides = array<i32>} : memref<10000xf32, #tpu.memory_space<vmem>>, vector<16xf32>,
          %get3A_191 = vector.shape_cast %get3A_190 : vector<16xf32> to vector<16xf32>
          %ge3A_192 = arith.cmpf oge, %get3A_191, %bitcast_convert_type3A_75 : vector<16xf32>
          %jit3A_193 = arith.constant 1 : i32
          %jit3A_194 = arith.constant 0 : i32
          %broadcast_in_dim3A_195 = vector.broadcast %jit3A_193 : i32 to vector<16xi32>
          %broadcast_in_dim3A_196 = vector.broadcast %jit3A_194 : i32 to vector<16xi32>
          %select_n3A_197 = arith.select %ge3A_192, %broadcast_in_dim3A_195, %broadcast_in_dim3A_196 : vector<16xi1>, vector<16xi32>
          %add3A_198 = arith.addi %add3A_182, %select_n3A_197 : vector<16xi32>
          %mul3A_199 = arith.constant 5 : i32
          %mul3A_200 = arith.muli %scan3A_150, %mul3A_199 : i32
          %add3A_201 = arith.constant 3 : i32
          %add3A_202 = arith.addi %mul3A_200, %add3A_201 : i32
          %mul3A_203 = arith.constant 16 : i32
          %mul3A_204 = arith.muli %add3A_202, %mul3A_203 : i32
          %get3A_205 = arith.index_cast %mul3A_204 : i32 to index
          %get3A_206 = tpu.vector_load %arg4[%get3A_205] {strides = array<i32>} : memref<10000xf32, #tpu.memory_space<vmem>>, vector<16xf32>,
          %get3A_207 = vector.shape_cast %get3A_206 : vector<16xf32> to vector<16xf32>
          %ge3A_208 = arith.cmpf oge, %get3A_207, %bitcast_convert_type3A_75 : vector<16xf32>
          %jit3A_209 = arith.constant 1 : i32
          %jit3A_210 = arith.constant 0 : i32
          %broadcast_in_dim3A_211 = vector.broadcast %jit3A_209 : i32 to vector<16xi32>
          %broadcast_in_dim3A_212 = vector.broadcast %jit3A_210 : i32 to vector<16xi32>
          %select_n3A_213 = arith.select %ge3A_208, %broadcast_in_dim3A_211, %broadcast_in_dim3A_212 : vector<16xi1>, vector<16xi32>
          %add3A_214 = arith.addi %add3A_198, %select_n3A_213 : vector<16xi32>
          %mul3A_215 = arith.constant 5 : i32
          %mul3A_216 = arith.muli %scan3A_150, %mul3A_215 : i32
          %add3A_217 = arith.constant 4 : i32
          %add3A_218 = arith.addi %mul3A_216, %add3A_217 : i32
          %mul3A_219 = arith.constant 16 : i32
          %mul3A_220 = arith.muli %add3A_218, %mul3A_219 : i32
          %get3A_221 = arith.index_cast %mul3A_220 : i32 to index
          %get3A_222 = tpu.vector_load %arg4[%get3A_221] {strides = array<i32>} : memref<10000xf32, #tpu.memory_space<vmem>>, vector<16xf32>,
          %get3A_223 = vector.shape_cast %get3A_222 : vector<16xf32> to vector<16xf32>
          %ge3A_224 = arith.cmpf oge, %get3A_223, %bitcast_convert_type3A_75 : vector<16xf32>
          %jit3A_225 = arith.constant 1 : i32
          %jit3A_226 = arith.constant 0 : i32
          %broadcast_in_dim3A_227 = vector.broadcast %jit3A_225 : i32 to vector<16xi32>
          %broadcast_in_dim3A_228 = vector.broadcast %jit3A_226 : i32 to vector<16xi32>
          %select_n3A_229 = arith.select %ge3A_224, %broadcast_in_dim3A_227, %broadcast_in_dim3A_228 : vector<16xi1>, vector<16xi32>
          %add3A_230 = arith.addi %add3A_214, %select_n3A_229 : vector<16xi32>
          scf.yield %add3A_230 : vector<16xi32>
        }
        %scan3A_83 = arith.constant 125 : i32
        %slice3A_84 = vector.extract_strided_slice %scan3A_82 {offsets = [0], sizes = [1], strides = [1]} : vector<16xi32> to vector<1xi32>
        %squeeze3A_85 = vector.extract %slice3A_84[0] : i32 from vector<1xi32>
        %slice3A_86 = vector.extract_strided_slice %scan3A_82 {offsets = [1], sizes = [1], strides = [1]} : vector<16xi32> to vector<1xi32>
        %squeeze3A_87 = vector.extract %slice3A_86[0] : i32 from vector<1xi32>
        %add3A_88 = arith.addi %squeeze3A_85, %squeeze3A_87 : i32
        %slice3A_89 = vector.extract_strided_slice %scan3A_82 {offsets = [2], sizes = [1], strides = [1]} : vector<16xi32> to vector<1xi32>
        %squeeze3A_90 = vector.extract %slice3A_89[0] : i32 from vector<1xi32>
        %add3A_91 = arith.addi %add3A_88, %squeeze3A_90 : i32
        %slice3A_92 = vector.extract_strided_slice %scan3A_82 {offsets = [3], sizes = [1], strides = [1]} : vector<16xi32> to vector<1xi32>
        %squeeze3A_93 = vector.extract %slice3A_92[0] : i32 from vector<1xi32>
        %add3A_94 = arith.addi %add3A_91, %squeeze3A_93 : i32
        %slice3A_95 = vector.extract_strided_slice %scan3A_82 {offsets = [4], sizes = [1], strides = [1]} : vector<16xi32> to vector<1xi32>
        %squeeze3A_96 = vector.extract %slice3A_95[0] : i32 from vector<1xi32>
        %add3A_97 = arith.addi %add3A_94, %squeeze3A_96 : i32
        %slice3A_98 = vector.extract_strided_slice %scan3A_82 {offsets = [5], sizes = [1], strides = [1]} : vector<16xi32> to vector<1xi32>
        %squeeze3A_99 = vector.extract %slice3A_98[0] : i32 from vector<1xi32>
        %add3A_100 = arith.addi %add3A_97, %squeeze3A_99 : i32
        %slice3A_101 = vector.extract_strided_slice %scan3A_82 {offsets = [6], sizes = [1], strides = [1]} : vector<16xi32> to vector<1xi32>
        %squeeze3A_102 = vector.extract %slice3A_101[0] : i32 from vector<1xi32>
        %add3A_103 = arith.addi %add3A_100, %squeeze3A_102 : i32
        %slice3A_104 = vector.extract_strided_slice %scan3A_82 {offsets = [7], sizes = [1], strides = [1]} : vector<16xi32> to vector<1xi32>
        %squeeze3A_105 = vector.extract %slice3A_104[0] : i32 from vector<1xi32>
        %add3A_106 = arith.addi %add3A_103, %squeeze3A_105 : i32
        %slice3A_107 = vector.extract_strided_slice %scan3A_82 {offsets = [8], sizes = [1], strides = [1]} : vector<16xi32> to vector<1xi32>
        %squeeze3A_108 = vector.extract %slice3A_107[0] : i32 from vector<1xi32>
        %add3A_109 = arith.addi %add3A_106, %squeeze3A_108 : i32
        %slice3A_110 = vector.extract_strided_slice %scan3A_82 {offsets = [9], sizes = [1], strides = [1]} : vector<16xi32> to vector<1xi32>
        %squeeze3A_111 = vector.extract %slice3A_110[0] : i32 from vector<1xi32>
        %add3A_112 = arith.addi %add3A_109, %squeeze3A_111 : i32
        %slice3A_113 = vector.extract_strided_slice %scan3A_82 {offsets = [10], sizes = [1], strides = [1]} : vector<16xi32> to vector<1xi32>
        %squeeze3A_114 = vector.extract %slice3A_113[0] : i32 from vector<1xi32>
        %add3A_115 = arith.addi %add3A_112, %squeeze3A_114 : i32
        %slice3A_116 = vector.extract_strided_slice %scan3A_82 {offsets = [11], sizes = [1], strides = [1]} : vector<16xi32> to vector<1xi32>
        %squeeze3A_117 = vector.extract %slice3A_116[0] : i32 from vector<1xi32>
        %add3A_118 = arith.addi %add3A_115, %squeeze3A_117 : i32
        %slice3A_119 = vector.extract_strided_slice %scan3A_82 {offsets = [12], sizes = [1], strides = [1]} : vector<16xi32> to vector<1xi32>
        %squeeze3A_120 = vector.extract %slice3A_119[0] : i32 from vector<1xi32>
        %add3A_121 = arith.addi %add3A_118, %squeeze3A_120 : i32
        %slice3A_122 = vector.extract_strided_slice %scan3A_82 {offsets = [13], sizes = [1], strides = [1]} : vector<16xi32> to vector<1xi32>
        %squeeze3A_123 = vector.extract %slice3A_122[0] : i32 from vector<1xi32>
        %add3A_124 = arith.addi %add3A_121, %squeeze3A_123 : i32
        %slice3A_125 = vector.extract_strided_slice %scan3A_82 {offsets = [14], sizes = [1], strides = [1]} : vector<16xi32> to vector<1xi32>
        %squeeze3A_126 = vector.extract %slice3A_125[0] : i32 from vector<1xi32>
        %add3A_127 = arith.addi %add3A_124, %squeeze3A_126 : i32
        %slice3A_128 = vector.extract_strided_slice %scan3A_82 {offsets = [15], sizes = [1], strides = [1]} : vector<16xi32> to vector<1xi32>
        %squeeze3A_129 = vector.extract %slice3A_128[0] : i32 from vector<1xi32>
        %add3A_130 = arith.addi %add3A_127, %squeeze3A_129 : i32
        %ge3A_131 = arith.constant 32 : i32
        %ge3A_132 = arith.cmpi sge, %add3A_130, %ge3A_131 : i32
        %select_n3A_133 = arith.select %ge3A_132, %max3A_73, %select_n3A : i32
        %select_n3A_134 = arith.select %ge3A_132, %select_n3A_70, %max3A_73 : i32
        %select_n3A_135 = arith.select %ge3A_132, %add3A_130, %select_n3A_72 : i32
        %scan3A_136 = arith.constant 0 : i32
        %scan3A_137 = arith.constant 31 : i32
        %scan3A_138 = arith.addi %scan3A_136, %scan3A_137 : i32
        %scan3A_139 = arith.constant 1 : i32
        %scan3A_140:3 = scf.for %scan3A_150 = %scan3A_136 to %scan3A_138 step %scan3A_139 iter_args(%scan3A_151 = %select_n3A_133, %scan3A_152 = %select_n3A_134, %scan3A_153 = %select_n3A_135) -> (i32, i32, i32)  : i32 {
          %ne3A = arith.constant 32 : i32
          %ne3A_154 = arith.cmpi ne, %scan3A_153, %ne3A : i32
          %sub3A = arith.subi %scan3A_152, %scan3A_151 : i32
          %gt3A = arith.constant 1 : i32
          %gt3A_155 = arith.cmpi sgt, %sub3A, %gt3A : i32
          %and3A = arith.andi %ne3A_154, %gt3A_155 : i1
          %convert_element_type3A_156 = arith.extui %and3A : i1 to i32
          %cond3A_157 = arith.constant 0 : i32
          %cond3A_158 = arith.cmpi ne, %convert_element_type3A_156, %cond3A_157 : i32
          %cond3A_159:3 = scf.if %cond3A_158 -> (i32, i32, i32) {
            %sub3A_160 = arith.subi %scan3A_152, %scan3A_151 : i32
            %shift_right_logical3A = arith.constant 1 : i32
            %shift_right_logical3A_161 = arith.shrui %sub3A_160, %shift_right_logical3A : i32
            %add3A_162 = arith.addi %scan3A_151, %shift_right_logical3A_161 : i32
            %broadcast_in_dim3A_163 = vector.broadcast %add3A_162 : i32 to vector<16xi32>
            %bitcast_convert_type3A_164 = tpu.bitcast %broadcast_in_dim3A_163 : vector<16xi32> -> vector<16xf32>
            %broadcast_in_dim3A_165 = arith.constant 0 : i32
            %broadcast_in_dim3A_166 = vector.broadcast %broadcast_in_dim3A_165 : i32 to vector<16xi32>
            %scan3A_167 = arith.constant 0 : i32
            %scan3A_168 = arith.constant 125 : i32
            %scan3A_169 = arith.addi %scan3A_167, %scan3A_168 : i32
            %scan3A_170 = arith.constant 1 : i32
            %scan3A_171 = scf.for %scan3A_225 = %scan3A_167 to %scan3A_169 step %scan3A_170 iter_args(%scan3A_226 = %broadcast_in_dim3A_166) -> (vector<16xi32>)  : i32 {
              %mul3A_227 = arith.constant 5 : i32
              %mul3A_228 = arith.muli %scan3A_225, %mul3A_227 : i32
              %add3A_229 = arith.constant 0 : i32
              %add3A_230 = arith.addi %mul3A_228, %add3A_229 : i32
              %mul3A_231 = arith.constant 16 : i32
              %mul3A_232 = arith.muli %add3A_230, %mul3A_231 : i32
              %get3A = arith.index_cast %mul3A_232 : i32 to index
              %get3A_233 = tpu.vector_load %arg4[%get3A] {strides = array<i32>} : memref<10000xf32, #tpu.memory_space<vmem>>, vector<16xf32>,
              %get3A_234 = vector.shape_cast %get3A_233 : vector<16xf32> to vector<16xf32>
              %ge3A_235 = arith.cmpf oge, %get3A_234, %bitcast_convert_type3A_164 : vector<16xf32>
              %jit3A_236 = arith.constant 1 : i32
              %jit3A_237 = arith.constant 0 : i32
              %broadcast_in_dim3A_238 = vector.broadcast %jit3A_236 : i32 to vector<16xi32>
              %broadcast_in_dim3A_239 = vector.broadcast %jit3A_237 : i32 to vector<16xi32>
              %select_n3A_240 = arith.select %ge3A_235, %broadcast_in_dim3A_238, %broadcast_in_dim3A_239 : vector<16xi1>, vector<16xi32>
              %add3A_241 = arith.addi %scan3A_226, %select_n3A_240 : vector<16xi32>
              %mul3A_242 = arith.constant 5 : i32
              %mul3A_243 = arith.muli %scan3A_225, %mul3A_242 : i32
              %add3A_244 = arith.constant 1 : i32
              %add3A_245 = arith.addi %mul3A_243, %add3A_244 : i32
              %mul3A_246 = arith.constant 16 : i32
              %mul3A_247 = arith.muli %add3A_245, %mul3A_246 : i32
              %get3A_248 = arith.index_cast %mul3A_247 : i32 to index
              %get3A_249 = tpu.vector_load %arg4[%get3A_248] {strides = array<i32>} : memref<10000xf32, #tpu.memory_space<vmem>>, vector<16xf32>,
              %get3A_250 = vector.shape_cast %get3A_249 : vector<16xf32> to vector<16xf32>
              %ge3A_251 = arith.cmpf oge, %get3A_250, %bitcast_convert_type3A_164 : vector<16xf32>
              %jit3A_252 = arith.constant 1 : i32
              %jit3A_253 = arith.constant 0 : i32
              %broadcast_in_dim3A_254 = vector.broadcast %jit3A_252 : i32 to vector<16xi32>
              %broadcast_in_dim3A_255 = vector.broadcast %jit3A_253 : i32 to vector<16xi32>
              %select_n3A_256 = arith.select %ge3A_251, %broadcast_in_dim3A_254, %broadcast_in_dim3A_255 : vector<16xi1>, vector<16xi32>
              %add3A_257 = arith.addi %add3A_241, %select_n3A_256 : vector<16xi32>
              %mul3A_258 = arith.constant 5 : i32
              %mul3A_259 = arith.muli %scan3A_225, %mul3A_258 : i32
              %add3A_260 = arith.constant 2 : i32
              %add3A_261 = arith.addi %mul3A_259, %add3A_260 : i32
              %mul3A_262 = arith.constant 16 : i32
              %mul3A_263 = arith.muli %add3A_261, %mul3A_262 : i32
              %get3A_264 = arith.index_cast %mul3A_263 : i32 to index
              %get3A_265 = tpu.vector_load %arg4[%get3A_264] {strides = array<i32>} : memref<10000xf32, #tpu.memory_space<vmem>>, vector<16xf32>,
              %get3A_266 = vector.shape_cast %get3A_265 : vector<16xf32> to vector<16xf32>
              %ge3A_267 = arith.cmpf oge, %get3A_266, %bitcast_convert_type3A_164 : vector<16xf32>
              %jit3A_268 = arith.constant 1 : i32
              %jit3A_269 = arith.constant 0 : i32
              %broadcast_in_dim3A_270 = vector.broadcast %jit3A_268 : i32 to vector<16xi32>
              %broadcast_in_dim3A_271 = vector.broadcast %jit3A_269 : i32 to vector<16xi32>
              %select_n3A_272 = arith.select %ge3A_267, %broadcast_in_dim3A_270, %broadcast_in_dim3A_271 : vector<16xi1>, vector<16xi32>
              %add3A_273 = arith.addi %add3A_257, %select_n3A_272 : vector<16xi32>
              %mul3A_274 = arith.constant 5 : i32
              %mul3A_275 = arith.muli %scan3A_225, %mul3A_274 : i32
              %add3A_276 = arith.constant 3 : i32
              %add3A_277 = arith.addi %mul3A_275, %add3A_276 : i32
              %mul3A_278 = arith.constant 16 : i32
              %mul3A_279 = arith.muli %add3A_277, %mul3A_278 : i32
              %get3A_280 = arith.index_cast %mul3A_279 : i32 to index
              %get3A_281 = tpu.vector_load %arg4[%get3A_280] {strides = array<i32>} : memref<10000xf32, #tpu.memory_space<vmem>>, vector<16xf32>,
              %get3A_282 = vector.shape_cast %get3A_281 : vector<16xf32> to vector<16xf32>
              %ge3A_283 = arith.cmpf oge, %get3A_282, %bitcast_convert_type3A_164 : vector<16xf32>
              %jit3A_284 = arith.constant 1 : i32
              %jit3A_285 = arith.constant 0 : i32
              %broadcast_in_dim3A_286 = vector.broadcast %jit3A_284 : i32 to vector<16xi32>
              %broadcast_in_dim3A_287 = vector.broadcast %jit3A_285 : i32 to vector<16xi32>
              %select_n3A_288 = arith.select %ge3A_283, %broadcast_in_dim3A_286, %broadcast_in_dim3A_287 : vector<16xi1>, vector<16xi32>
              %add3A_289 = arith.addi %add3A_273, %select_n3A_288 : vector<16xi32>
              %mul3A_290 = arith.constant 5 : i32
              %mul3A_291 = arith.muli %scan3A_225, %mul3A_290 : i32
              %add3A_292 = arith.constant 4 : i32
              %add3A_293 = arith.addi %mul3A_291, %add3A_292 : i32
              %mul3A_294 = arith.constant 16 : i32
              %mul3A_295 = arith.muli %add3A_293, %mul3A_294 : i32
              %get3A_296 = arith.index_cast %mul3A_295 : i32 to index
              %get3A_297 = tpu.vector_load %arg4[%get3A_296] {strides = array<i32>} : memref<10000xf32, #tpu.memory_space<vmem>>, vector<16xf32>,
              %get3A_298 = vector.shape_cast %get3A_297 : vector<16xf32> to vector<16xf32>
              %ge3A_299 = arith.cmpf oge, %get3A_298, %bitcast_convert_type3A_164 : vector<16xf32>
              %jit3A_300 = arith.constant 1 : i32
              %jit3A_301 = arith.constant 0 : i32
              %broadcast_in_dim3A_302 = vector.broadcast %jit3A_300 : i32 to vector<16xi32>
              %broadcast_in_dim3A_303 = vector.broadcast %jit3A_301 : i32 to vector<16xi32>
              %select_n3A_304 = arith.select %ge3A_299, %broadcast_in_dim3A_302, %broadcast_in_dim3A_303 : vector<16xi1>, vector<16xi32>
              %add3A_305 = arith.addi %add3A_289, %select_n3A_304 : vector<16xi32>
              scf.yield %add3A_305 : vector<16xi32>
            }
            %scan3A_172 = arith.constant 125 : i32
            %slice3A_173 = vector.extract_strided_slice %scan3A_171 {offsets = [0], sizes = [1], strides = [1]} : vector<16xi32> to vector<1xi32>
            %squeeze3A_174 = vector.extract %slice3A_173[0] : i32 from vector<1xi32>
            %slice3A_175 = vector.extract_strided_slice %scan3A_171 {offsets = [1], sizes = [1], strides = [1]} : vector<16xi32> to vector<1xi32>
            %squeeze3A_176 = vector.extract %slice3A_175[0] : i32 from vector<1xi32>
            %add3A_177 = arith.addi %squeeze3A_174, %squeeze3A_176 : i32
            %slice3A_178 = vector.extract_strided_slice %scan3A_171 {offsets = [2], sizes = [1], strides = [1]} : vector<16xi32> to vector<1xi32>
            %squeeze3A_179 = vector.extract %slice3A_178[0] : i32 from vector<1xi32>
            %add3A_180 = arith.addi %add3A_177, %squeeze3A_179 : i32
            %slice3A_181 = vector.extract_strided_slice %scan3A_171 {offsets = [3], sizes = [1], strides = [1]} : vector<16xi32> to vector<1xi32>
            %squeeze3A_182 = vector.extract %slice3A_181[0] : i32 from vector<1xi32>
            %add3A_183 = arith.addi %add3A_180, %squeeze3A_182 : i32
            %slice3A_184 = vector.extract_strided_slice %scan3A_171 {offsets = [4], sizes = [1], strides = [1]} : vector<16xi32> to vector<1xi32>
            %squeeze3A_185 = vector.extract %slice3A_184[0] : i32 from vector<1xi32>
            %add3A_186 = arith.addi %add3A_183, %squeeze3A_185 : i32
            %slice3A_187 = vector.extract_strided_slice %scan3A_171 {offsets = [5], sizes = [1], strides = [1]} : vector<16xi32> to vector<1xi32>
            %squeeze3A_188 = vector.extract %slice3A_187[0] : i32 from vector<1xi32>
            %add3A_189 = arith.addi %add3A_186, %squeeze3A_188 : i32
            %slice3A_190 = vector.extract_strided_slice %scan3A_171 {offsets = [6], sizes = [1], strides = [1]} : vector<16xi32> to vector<1xi32>
            %squeeze3A_191 = vector.extract %slice3A_190[0] : i32 from vector<1xi32>
            %add3A_192 = arith.addi %add3A_189, %squeeze3A_191 : i32
            %slice3A_193 = vector.extract_strided_slice %scan3A_171 {offsets = [7], sizes = [1], strides = [1]} : vector<16xi32> to vector<1xi32>
            %squeeze3A_194 = vector.extract %slice3A_193[0] : i32 from vector<1xi32>
            %add3A_195 = arith.addi %add3A_192, %squeeze3A_194 : i32
            %slice3A_196 = vector.extract_strided_slice %scan3A_171 {offsets = [8], sizes = [1], strides = [1]} : vector<16xi32> to vector<1xi32>
            %squeeze3A_197 = vector.extract %slice3A_196[0] : i32 from vector<1xi32>
            %add3A_198 = arith.addi %add3A_195, %squeeze3A_197 : i32
            %slice3A_199 = vector.extract_strided_slice %scan3A_171 {offsets = [9], sizes = [1], strides = [1]} : vector<16xi32> to vector<1xi32>
            %squeeze3A_200 = vector.extract %slice3A_199[0] : i32 from vector<1xi32>
            %add3A_201 = arith.addi %add3A_198, %squeeze3A_200 : i32
            %slice3A_202 = vector.extract_strided_slice %scan3A_171 {offsets = [10], sizes = [1], strides = [1]} : vector<16xi32> to vector<1xi32>
            %squeeze3A_203 = vector.extract %slice3A_202[0] : i32 from vector<1xi32>
            %add3A_204 = arith.addi %add3A_201, %squeeze3A_203 : i32
            %slice3A_205 = vector.extract_strided_slice %scan3A_171 {offsets = [11], sizes = [1], strides = [1]} : vector<16xi32> to vector<1xi32>
            %squeeze3A_206 = vector.extract %slice3A_205[0] : i32 from vector<1xi32>
            %add3A_207 = arith.addi %add3A_204, %squeeze3A_206 : i32
            %slice3A_208 = vector.extract_strided_slice %scan3A_171 {offsets = [12], sizes = [1], strides = [1]} : vector<16xi32> to vector<1xi32>
            %squeeze3A_209 = vector.extract %slice3A_208[0] : i32 from vector<1xi32>
            %add3A_210 = arith.addi %add3A_207, %squeeze3A_209 : i32
            %slice3A_211 = vector.extract_strided_slice %scan3A_171 {offsets = [13], sizes = [1], strides = [1]} : vector<16xi32> to vector<1xi32>
            %squeeze3A_212 = vector.extract %slice3A_211[0] : i32 from vector<1xi32>
            %add3A_213 = arith.addi %add3A_210, %squeeze3A_212 : i32
            %slice3A_214 = vector.extract_strided_slice %scan3A_171 {offsets = [14], sizes = [1], strides = [1]} : vector<16xi32> to vector<1xi32>
            %squeeze3A_215 = vector.extract %slice3A_214[0] : i32 from vector<1xi32>
            %add3A_216 = arith.addi %add3A_213, %squeeze3A_215 : i32
            %slice3A_217 = vector.extract_strided_slice %scan3A_171 {offsets = [15], sizes = [1], strides = [1]} : vector<16xi32> to vector<1xi32>
            %squeeze3A_218 = vector.extract %slice3A_217[0] : i32 from vector<1xi32>
            %add3A_219 = arith.addi %add3A_216, %squeeze3A_218 : i32
            %ge3A_220 = arith.constant 32 : i32
            %ge3A_221 = arith.cmpi sge, %add3A_219, %ge3A_220 : i32
            %select_n3A_222 = arith.select %ge3A_221, %add3A_162, %scan3A_151 : i32
            %select_n3A_223 = arith.select %ge3A_221, %scan3A_152, %add3A_162 : i32
            %select_n3A_224 = arith.select %ge3A_221, %add3A_219, %scan3A_153 : i32
            scf.yield %select_n3A_222, %select_n3A_223, %select_n3A_224 : i32, i32, i32
          } else {
            scf.yield %scan3A_151, %scan3A_152, %scan3A_153 : i32, i32, i32
          }
          scf.yield %cond3A_159#0, %cond3A_159#1, %cond3A_159#2 : i32, i32, i32
        }
        %scan3A_141 = arith.constant 31 : i32
        %broadcast_in_dim3A_142 = vector.broadcast %scan3A_140#0 : i32 to vector<16xi32>
        %bitcast_convert_type3A_143 = tpu.bitcast %broadcast_in_dim3A_142 : vector<16xi32> -> vector<16xf32>
        %scan3A_144 = arith.constant 0 : i32
        %scan3A_145 = arith.constant 0 : i32
        %scan3A_146 = arith.constant 125 : i32
        %scan3A_147 = arith.addi %scan3A_145, %scan3A_146 : i32
        %scan3A_148 = arith.constant 1 : i32
        scf.for %scan3A_150 = %scan3A_145 to %scan3A_147 step %scan3A_148  : i32 {
          %mul3A_151 = arith.constant 5 : i32
          %mul3A_152 = arith.muli %scan3A_150, %mul3A_151 : i32
          %add3A_153 = arith.constant 0 : i32
          %add3A_154 = arith.addi %mul3A_152, %add3A_153 : i32
          %mul3A_155 = arith.constant 16 : i32
          %mul3A_156 = arith.muli %add3A_154, %mul3A_155 : i32
          %get3A = arith.index_cast %mul3A_156 : i32 to index
          %get3A_157 = tpu.vector_load %arg4[%get3A] {strides = array<i32>} : memref<10000xf32, #tpu.memory_space<vmem>>, vector<16xf32>,
          %get3A_158 = vector.shape_cast %get3A_157 : vector<16xf32> to vector<16xf32>
          %ge3A_159 = arith.cmpf oge, %get3A_158, %bitcast_convert_type3A_143 : vector<16xf32>
          %jit3A_160 = arith.constant 0.000000e+00 : f32
          %broadcast_in_dim3A_161 = vector.broadcast %jit3A_160 : f32 to vector<16xf32>
          %select_n3A_162 = arith.select %ge3A_159, %get3A_158, %broadcast_in_dim3A_161 : vector<16xi1>, vector<16xf32>
          %swap3A = arith.index_cast %mul3A_156 : i32 to index
          %swap3A_163 = tpu.vector_load %arg4[%swap3A] {strides = array<i32>} : memref<10000xf32, #tpu.memory_space<vmem>>, vector<16xf32>,
          %swap3A_164 = vector.shape_cast %swap3A_163 : vector<16xf32> to vector<16xf32>
          %swap3A_165 = vector.shape_cast %select_n3A_162 : vector<16xf32> to vector<16xf32>
          tpu.vector_store %arg4[%swap3A], %swap3A_165 {strides = array<i32>} : memref<10000xf32, #tpu.memory_space<vmem>>, vector<16xf32>,
          %mul3A_166 = arith.constant 5 : i32
          %mul3A_167 = arith.muli %scan3A_150, %mul3A_166 : i32
          %add3A_168 = arith.constant 1 : i32
          %add3A_169 = arith.addi %mul3A_167, %add3A_168 : i32
          %mul3A_170 = arith.constant 16 : i32
          %mul3A_171 = arith.muli %add3A_169, %mul3A_170 : i32
          %get3A_172 = arith.index_cast %mul3A_171 : i32 to index
          %get3A_173 = tpu.vector_load %arg4[%get3A_172] {strides = array<i32>} : memref<10000xf32, #tpu.memory_space<vmem>>, vector<16xf32>,
          %get3A_174 = vector.shape_cast %get3A_173 : vector<16xf32> to vector<16xf32>
          %ge3A_175 = arith.cmpf oge, %get3A_174, %bitcast_convert_type3A_143 : vector<16xf32>
          %jit3A_176 = arith.constant 0.000000e+00 : f32
          %broadcast_in_dim3A_177 = vector.broadcast %jit3A_176 : f32 to vector<16xf32>
          %select_n3A_178 = arith.select %ge3A_175, %get3A_174, %broadcast_in_dim3A_177 : vector<16xi1>, vector<16xf32>
          %swap3A_179 = arith.index_cast %mul3A_171 : i32 to index
          %swap3A_180 = tpu.vector_load %arg4[%swap3A_179] {strides = array<i32>} : memref<10000xf32, #tpu.memory_space<vmem>>, vector<16xf32>,
          %swap3A_181 = vector.shape_cast %swap3A_180 : vector<16xf32> to vector<16xf32>
          %swap3A_182 = vector.shape_cast %select_n3A_178 : vector<16xf32> to vector<16xf32>
          tpu.vector_store %arg4[%swap3A_179], %swap3A_182 {strides = array<i32>} : memref<10000xf32, #tpu.memory_space<vmem>>, vector<16xf32>,
          %mul3A_183 = arith.constant 5 : i32
          %mul3A_184 = arith.muli %scan3A_150, %mul3A_183 : i32
          %add3A_185 = arith.constant 2 : i32
          %add3A_186 = arith.addi %mul3A_184, %add3A_185 : i32
          %mul3A_187 = arith.constant 16 : i32
          %mul3A_188 = arith.muli %add3A_186, %mul3A_187 : i32
          %get3A_189 = arith.index_cast %mul3A_188 : i32 to index
          %get3A_190 = tpu.vector_load %arg4[%get3A_189] {strides = array<i32>} : memref<10000xf32, #tpu.memory_space<vmem>>, vector<16xf32>,
          %get3A_191 = vector.shape_cast %get3A_190 : vector<16xf32> to vector<16xf32>
          %ge3A_192 = arith.cmpf oge, %get3A_191, %bitcast_convert_type3A_143 : vector<16xf32>
          %jit3A_193 = arith.constant 0.000000e+00 : f32
          %broadcast_in_dim3A_194 = vector.broadcast %jit3A_193 : f32 to vector<16xf32>
          %select_n3A_195 = arith.select %ge3A_192, %get3A_191, %broadcast_in_dim3A_194 : vector<16xi1>, vector<16xf32>
          %swap3A_196 = arith.index_cast %mul3A_188 : i32 to index
          %swap3A_197 = tpu.vector_load %arg4[%swap3A_196] {strides = array<i32>} : memref<10000xf32, #tpu.memory_space<vmem>>, vector<16xf32>,
          %swap3A_198 = vector.shape_cast %swap3A_197 : vector<16xf32> to vector<16xf32>
          %swap3A_199 = vector.shape_cast %select_n3A_195 : vector<16xf32> to vector<16xf32>
          tpu.vector_store %arg4[%swap3A_196], %swap3A_199 {strides = array<i32>} : memref<10000xf32, #tpu.memory_space<vmem>>, vector<16xf32>,
          %mul3A_200 = arith.constant 5 : i32
          %mul3A_201 = arith.muli %scan3A_150, %mul3A_200 : i32
          %add3A_202 = arith.constant 3 : i32
          %add3A_203 = arith.addi %mul3A_201, %add3A_202 : i32
          %mul3A_204 = arith.constant 16 : i32
          %mul3A_205 = arith.muli %add3A_203, %mul3A_204 : i32
          %get3A_206 = arith.index_cast %mul3A_205 : i32 to index
          %get3A_207 = tpu.vector_load %arg4[%get3A_206] {strides = array<i32>} : memref<10000xf32, #tpu.memory_space<vmem>>, vector<16xf32>,
          %get3A_208 = vector.shape_cast %get3A_207 : vector<16xf32> to vector<16xf32>
          %ge3A_209 = arith.cmpf oge, %get3A_208, %bitcast_convert_type3A_143 : vector<16xf32>
          %jit3A_210 = arith.constant 0.000000e+00 : f32
          %broadcast_in_dim3A_211 = vector.broadcast %jit3A_210 : f32 to vector<16xf32>
          %select_n3A_212 = arith.select %ge3A_209, %get3A_208, %broadcast_in_dim3A_211 : vector<16xi1>, vector<16xf32>
          %swap3A_213 = arith.index_cast %mul3A_205 : i32 to index
          %swap3A_214 = tpu.vector_load %arg4[%swap3A_213] {strides = array<i32>} : memref<10000xf32, #tpu.memory_space<vmem>>, vector<16xf32>,
          %swap3A_215 = vector.shape_cast %swap3A_214 : vector<16xf32> to vector<16xf32>
          %swap3A_216 = vector.shape_cast %select_n3A_212 : vector<16xf32> to vector<16xf32>
          tpu.vector_store %arg4[%swap3A_213], %swap3A_216 {strides = array<i32>} : memref<10000xf32, #tpu.memory_space<vmem>>, vector<16xf32>,
          %mul3A_217 = arith.constant 5 : i32
          %mul3A_218 = arith.muli %scan3A_150, %mul3A_217 : i32
          %add3A_219 = arith.constant 4 : i32
          %add3A_220 = arith.addi %mul3A_218, %add3A_219 : i32
          %mul3A_221 = arith.constant 16 : i32
          %mul3A_222 = arith.muli %add3A_220, %mul3A_221 : i32
          %get3A_223 = arith.index_cast %mul3A_222 : i32 to index
          %get3A_224 = tpu.vector_load %arg4[%get3A_223] {strides = array<i32>} : memref<10000xf32, #tpu.memory_space<vmem>>, vector<16xf32>,
          %get3A_225 = vector.shape_cast %get3A_224 : vector<16xf32> to vector<16xf32>
          %ge3A_226 = arith.cmpf oge, %get3A_225, %bitcast_convert_type3A_143 : vector<16xf32>
          %jit3A_227 = arith.constant 0.000000e+00 : f32
          %broadcast_in_dim3A_228 = vector.broadcast %jit3A_227 : f32 to vector<16xf32>
          %select_n3A_229 = arith.select %ge3A_226, %get3A_225, %broadcast_in_dim3A_228 : vector<16xi1>, vector<16xf32>
          %swap3A_230 = arith.index_cast %mul3A_222 : i32 to index
          %swap3A_231 = tpu.vector_load %arg4[%swap3A_230] {strides = array<i32>} : memref<10000xf32, #tpu.memory_space<vmem>>, vector<16xf32>,
          %swap3A_232 = vector.shape_cast %swap3A_231 : vector<16xf32> to vector<16xf32>
          %swap3A_233 = vector.shape_cast %select_n3A_229 : vector<16xf32> to vector<16xf32>
          tpu.vector_store %arg4[%swap3A_230], %swap3A_233 {strides = array<i32>} : memref<10000xf32, #tpu.memory_space<vmem>>, vector<16xf32>,
        }
        %scan3A_149 = arith.constant 125 : i32
        "tpu.region"() ({
          %run_scoped3A = tpu.sem_alloc : memref<!tpu.dma_semaphore, #tpu.memory_space<semaphore_mem>>
          %dma_start3A = arith.constant 0 : i32
          %dma_start3A_150 = tpu.memref_slice %arg3[%add3A_9, %dma_start3A] : memref<10000x10000xf32, #tpu.memory_space<hbm>> -> memref<1x10000xf32, #tpu.memory_space<hbm>>
          %dma_start3A_151 = tpu.memref_squeeze %dma_start3A_150 : memref<1x10000xf32, #tpu.memory_space<hbm>> -> memref<10000xf32, #tpu.memory_space<hbm>>
          %dma_start3A_152 = arith.constant 0 : i32
          %dma_start3A_153 = tpu.memref_slice %arg3[%add3A_9, %dma_start3A_152] : memref<10000x10000xf32, #tpu.memory_space<hbm>> -> memref<1x10000xf32, #tpu.memory_space<hbm>>
          %dma_start3A_154 = tpu.memref_squeeze %dma_start3A_153 : memref<1x10000xf32, #tpu.memory_space<hbm>> -> memref<10000xf32, #tpu.memory_space<hbm>>
          tpu.enqueue_dma source(%arg4 : memref<10000xf32, #tpu.memory_space<vmem>>) target(%dma_start3A_154 : memref<10000xf32, #tpu.memory_space<hbm>>) target_semaphore(%run_scoped3A : memref<!tpu.dma_semaphore, #tpu.memory_space<semaphore_mem>>)
          %dma_wait3A = arith.constant 0 : i32
          %dma_wait3A_155 = tpu.memref_slice %arg3[%add3A_9, %dma_wait3A] : memref<10000x10000xf32, #tpu.memory_space<hbm>> -> memref<1x10000xf32, #tpu.memory_space<hbm>>
          %dma_wait3A_156 = tpu.memref_squeeze %dma_wait3A_155 : memref<1x10000xf32, #tpu.memory_space<hbm>> -> memref<10000xf32, #tpu.memory_space<hbm>>
          %dma_wait3A_157 = arith.constant 0 : i32
          %dma_wait3A_158 = tpu.memref_slice %arg3[%add3A_9, %dma_wait3A_157] : memref<10000x10000xf32, #tpu.memory_space<hbm>> -> memref<1x10000xf32, #tpu.memory_space<hbm>>
          %dma_wait3A_159 = tpu.memref_squeeze %dma_wait3A_158 : memref<1x10000xf32, #tpu.memory_space<hbm>> -> memref<10000xf32, #tpu.memory_space<hbm>>
          tpu.wait_dma2 semaphore(%run_scoped3A : memref<!tpu.dma_semaphore, #tpu.memory_space<semaphore_mem>>) src(%arg4 : memref<10000xf32, #tpu.memory_space<vmem>>) dst(%dma_wait3A_159 : memref<10000xf32, #tpu.memory_space<hbm>>)
          tpu.yield
        }) : () -> ()
      } else {
      }
    }
    %scan3A_5 = arith.constant 313 : i32
    return
  }
}

</mosaic_0001>

<sc_bundles>
// kernel: _sc_topk_mask.3.cloned.1.call-start
scs
__scs_entry_jumppad:
0x0: {  	(pc) =	sbr.rel $0x88, $3  }
0x1: {  	(tag) =	ssettag $0x0;
	lr =	simm.s32 $0x1  }
0x2: {  	[smem:$0x3FA0] =	sst lr;
	_ =	strace $0xD0000000  }
0x3: {  	_ = 	snop  }
0x4: {  	_ = 	snop  }
0x5: {  	_ = 	snop  }
0x6: {  	_ = 	snop  }
0x7: {  	_ = 	snop  }
__scs_overlays_trampoline_lowered:
0x8: {  	[smem:$0x3FAF] =	sst s0  }
0x9: {  	[smem:$0x3FB0] =	sst s1  }
0xa: {  	[smem:$0x3FB1] =	sst s2  }
0xb: {  	[smem:$0x3FB2] =	sst s3  }
0xc: {  	[smem:$0x3FB3] =	sst s4  }
0xd: {  	[smem:$0x3FB4] =	sst s5  }
0xe: {  	[smem:$0x3FB5] =	sst s6  }
0xf: {  	[smem:$0x3FB6] =	sst s7  }
0x10: {  	[smem:$0x3FB7] =	sst s8  }
0x11: {  	[smem:$0x3FB8] =	sst s9;
	s0 =	simm.s32 @!p0 $0x0  }
0x12: {  	s1 =	sld [smem:$0x3F9E];
	s0 =	simm.s32 @p0 $0x1  }
0x13: {  	[smem:$0x3FB9] =	sst s0;
	s0 =	simm.s32 @!p1 $0x0  }
0x14: {  	s2 =	sld [smem:$0x3F9D];
	s0 =	simm.s32 @p1 $0x1  }
0x15: {  	[smem:$0x3FBA] =	sst s0;
	s0 =	simm.s32 @!p2 $0x0  }
0x16: {  	s3 =	sld [smem:$0x3FDB];
	s0 =	simm.s32 @p2 $0x1  }
0x17: {  	s4 =	simm.s32 $0x1BF5;
	[smem:$0x3FBC] =	sst s0  }
0x18: {  	s0 =	sld [smem:$0x3F9F];
	_ =	swait.ge [sflag:s4], $0x0  }
0x19: {  	s7 =	sld [smem:$0x3FA0]  }
0x1a: {  	s8 =	sadd.s32 $0xFFFFE003, lr  }
0x1b: {  	s9 =	sadd.s32 $0xFFFFFEF7, lr;
	s5 =	simm.s32 $0xFFFFFFFF;
	p2 =	slt.u32 s8, $0xFFFFF086  }
0x1c: {  	p1 =	slt.u32 s9, $0xF7A;
	s5 =	simm.s32 @!p2 $0x0  }
0x1d: {  	s5 =	simm.s32 @p1 $0x1;
	p0 =	seq.s32 s7, s2  }
0x1e: {  	s7 =	smul.u32 @!p0 $0xF7A, s2;
	p2 =	seq.s32 @!p0 s5, $0x0  }
0x1f: {  	s9 =	smul.u32 $0xF7A, s1;
	s8 =	simm.s32 @!p0 $0x1BF5;
	p2 =	por !p2, p0  }
0x20: {  	[sflag:s8] =	ssyncset.s32 @!p0 $0xFFFFF086;
	s6 =	sadd.s32 @!p0 s3, s7;
	s7 =	simm.s32 @!p0 $0x108  }
0x21: {  	s3 =	sadd.s32 s3, s9;
	s6 =	sadd.s32 @!p0 $0x88, s6;
	s7 =	simm.s32 @p2 $0x1082  }
0x22: {  	[simem:s7], [sflag:s8] =	dma.local @!p0 [hbm:s6], $0xF7A  }
0x23: {  	s9 =	sor.u32 $0xD0000000, s2;
	s6 =	simm.s32 $0x108;
	_ =	swait.ge @!p0 [sflag:s8], $0x0  }
0x24: {  	s3 =	sadd.s32 $0x88, s3;
	s6 =	simm.s32 @!p1 $0x1082;
	[sflag:s4] =	ssyncset.s32 $0xFFFFF086  }
0x25: {  	[simem:s6], [sflag:s4] =	dma.local [hbm:s3], $0xF7A  }
0x26: {  	[smem:$0x3FA0] =	sst s1;
	(tag) =	ssettag s2;
	_ =	strace s9  }
0x27: {  	s1 =	sld [smem:$0x3FB0]  }
0x28: {  	s2 =	sld [smem:$0x3FB1]  }
0x29: {  	s4 =	sld [smem:$0x3FB3]  }
0x2a: {  	p0 =	seq.s32 s5, $0x0;
	s5 =	sld [smem:$0x3FB4]  }
0x2b: {  	s6 =	sld [smem:$0x3FB5]  }
0x2c: {  	s7 =	sld [smem:$0x3FB6]  }
0x2d: {  	s3 =	simm.s32 $0x108;
	s8 =	sld [smem:$0x3FB7]  }
0x2e: {  	s3 =	simm.s32 @!p0 $0x1082;
	s9 =	sld [smem:$0x3FB8]  }
0x2f: {  	lr =	sadd.s32 s0, s3;
	s0 =	sld [smem:$0x3FAF]  }
0x30: {  	s3 =	sld [smem:$0x3FB2]  }
0x31: {  	[smem:$0x3FBB] =	sst s10  }
0x32: {  	s10 =	sld [smem:$0x3FB9];
	_ =	sdelay $0x3  }
0x33: {  	p0 =	seq.s32 s10, $0x1;
	s10 =	sld [smem:$0x3FBB];
	_ =	sdelay $0x3  }
0x34: {  	[smem:$0x3FBB] =	sst s10  }
0x35: {  	s10 =	sld [smem:$0x3FBA];
	_ =	sdelay $0x3  }
0x36: {  	p1 =	seq.s32 s10, $0x1;
	s10 =	sld [smem:$0x3FBB];
	_ =	sdelay $0x3  }
0x37: {  	[smem:$0x3FBB] =	sst s10  }
0x38: {  	s10 =	sld [smem:$0x3FBC]  }
0x39: {  	_ = 	snop;
	(pc) =	sbr.ind lr, $3  }
0x3a: {  	_ = 	snop  }
0x3b: {  	_ = 	snop  }
0x3c: {  	p2 =	seq.s32 s10, $0x1;
	s10 =	sld [smem:$0x3FBB]  }
0x3d: {  	_ =	shalt  }
0x3e: {  	_ =	shalt  }
0x3f: {  	_ =	shalt  }
0x40: {  	_ =	shalt  }
0x41: {  	_ =	shalt  }
0x42: {  	_ =	shalt  }
0x43: {  	_ =	shalt  }
0x44: {  	_ =	shalt  }
0x45: {  	_ =	shalt  }
0x46: {  	_ =	shalt  }
0x47: {  	_ =	shalt  }
0x48: {  	_ =	shalt  }
0x49: {  	_ =	shalt  }
0x4a: {  	_ =	shalt  }
0x4b: {  	_ =	shalt  }
0x4c: {  	_ =	shalt  }
0x4d: {  	_ =	shalt  }
0x4e: {  	_ =	shalt  }
0x4f: {  	_ =	shalt  }
0x50: {  	_ =	shalt  }
0x51: {  	_ =	shalt  }
0x52: {  	_ =	shalt  }
0x53: {  	_ =	shalt  }
0x54: {  	_ =	shalt  }
0x55: {  	_ =	shalt  }
0x56: {  	_ =	shalt  }
0x57: {  	_ =	shalt  }
0x58: {  	_ =	shalt  }
0x59: {  	_ =	shalt  }
0x5a: {  	_ =	shalt  }
0x5b: {  	_ =	shalt  }
0x5c: {  	_ =	shalt  }
0x5d: {  	_ =	shalt  }
0x5e: {  	_ =	shalt  }
0x5f: {  	_ =	shalt  }
0x60: {  	_ =	shalt  }
0x61: {  	_ =	shalt  }
0x62: {  	_ =	shalt  }
0x63: {  	_ =	shalt  }
0x64: {  	_ =	shalt  }
0x65: {  	_ =	shalt  }
0x66: {  	_ =	shalt  }
0x67: {  	_ =	shalt  }
0x68: {  	_ =	shalt  }
0x69: {  	_ =	shalt  }
0x6a: {  	_ =	shalt  }
0x6b: {  	_ =	shalt  }
0x6c: {  	_ =	shalt  }
0x6d: {  	_ =	shalt  }
0x6e: {  	_ =	shalt  }
0x6f: {  	_ =	shalt  }
0x70: {  	_ =	shalt  }
0x71: {  	_ =	shalt  }
0x72: {  	_ =	shalt  }
0x73: {  	_ =	shalt  }
0x74: {  	_ =	shalt  }
0x75: {  	_ =	shalt  }
0x76: {  	_ =	shalt  }
0x77: {  	_ =	shalt  }
0x78: {  	_ =	shalt  }
0x79: {  	_ =	shalt  }
0x7a: {  	_ =	shalt  }
0x7b: {  	_ =	shalt  }
0x7c: {  	_ =	shalt  }
0x7d: {  	_ =	shalt  }
0x7e: {  	_ =	shalt  }
0x7f: {  	_ =	shalt  }
0x80: {  	_ =	shalt  }
0x81: {  	_ =	shalt  }
0x82: {  	_ =	shalt  }
0x83: {  	_ =	shalt  }
0x84: {  	_ =	shalt  }
0x85: {  	_ =	shalt  }
0x86: {  	_ =	shalt  }
0x87: {  	_ =	shalt  }
.Lfunc_end0:
.L_simem_size_0:
called_computation_lowered:
.L_overlay_start_0:
0x88: {  	s2 =	sld [smem:$0x3FD9]  }
0x89: {  	s3 =	sld [smem:$0x3FFE];
	_ =	sdelay $0x1  }
0x8a: {  	s1 =	srdreg.scid  }
0x8b: {  	s0 =	sand.u32 $0x1, s1  }
0x8c: {  	s18 =	sshll.u32 s0, $0xA;
	s2 =	sadd.s32 s3, s2  }
0x8d: {  	s2 =	sadd.s32 s2, s18  }
0x8e: {  	[smem:$0x3FC7] =	sst s2  }
0x8f: {  	_ = 	snop  }
0x90: {  	s2 =	sld [smem:$0x3FC9]  }
0x91: {  	s19 =	sld [smem:$0x3FD0];
	(tm) =	ssettm $0x1  }
0x92: {  	s4 =	sld [smem:$0x3FFB];
	_ =	sdelay $0x3  }
0x93: {  	_ =	strace s4  }
0x94: {  	s4 =	sld [smem:$0x3FFC];
	_ =	sdelay $0x3  }
0x95: {  	_ =	strace s4  }
0x96: {  	s4 =	sld [smem:$0x3FFD];
	_ =	sdelay $0x3  }
0x97: {  	_ =	strace s4  }
0x98: {  	_ =	strace $0x8FFFFFFF  }
0x99: {  	s20 =	sld [smem:$0x3FDB];
	_ =	sdelay $0x1  }
0x9a: {  	s5 =	simm.s32 $_scs_section_size  }
0x9b: {  	s6 =	simm.s32 $_size__tile_overlayer_lowered;
	s7 =	simm.s32 $_tile_overlayer_lowered  }
0x9c: {  	s23 =	simm.s32 $0x1BFF;
	s22 =	sshll.u32 s7, $0x1;
	s4 =	sadd.s32 s5, s20  }
0x9d: {  	s8 =	simm.s32 $0x0;
	s21 =	sshll.u32 s6, $0x1;
	s6 =	sadd.s32 s22, s4  }
0x9e: {  	[timem:s8], [sflag:s23] =	dma.local [hbm:s6], s21  }
0x9f: {  	_ =	swait.ge [sflag:s23], s21  }
0xa0: {  	s5 =	ssub.s32 $0x0, s21;
	[sflag:s23] =	ssyncset.done $0x0  }
0xa1: {  	[sflag:s23] =	ssyncadd.s32 s5;
	_ =	sdelay $0x1  }
0xa2: {  	s24 =	simm.s32 $0x1B8B  }
0xa3: {  	_ =	swait.ge [sflag:s24], $0x1  }
0xa4: {  	[sflag:s24] =	ssyncset.done $0x0  }
0xa5: {  	s25 =	simm.s32 $0x1B8E;
	[sflag:s24] =	ssyncadd.s32 $0xFFFFFFFF  }
0xa6: {  	s26 =	simm.s32 $execute0_lowered;
	[smem:$0x3FD2] =	sst s25  }
0xa7: {  	s5 =	sshll.u32 s26, $0x1;
	_ =	strace $0x80000046;
	[dreg:$0x1] =	wrdreg $0xFFFFFFFF  }
0xa8: {  	s28 =	simm.s32 $_size_execute0_lowered;
	s4 =	sadd.s32 s4, s5;
	[dreg:$0x0] =	wrdreg $0x0  }
0xa9: {  	s5 =	sshll.u32 s28, $0x1;
	[dreg:$0x2] =	wrdreg s4  }
0xaa: {  	[dreg:$0x3] =	wrdreg s5  }
0xab: {  	[dreg:$0x4] =	wrdreg $0xC0  }
0xac: {  	_ =	task [dreg:s8], $0x5FFFF  }
0xad: {  	[dreg:$0x1] =	wrdreg $0xFFFFFFFF  }
0xae: {  	[dreg:$0x0] =	wrdreg $0x60  }
0xaf: {  	[dreg:$0x2] =	wrdreg s2  }
0xb0: {  	[dreg:$0x3] =	wrdreg s19  }
0xb1: {  	[dreg:$0x4] =	wrdreg $0x9  }
0xb2: {  	_ =	task.clear_ibuf [dreg:s8], $0x5FFFF;
	_ =	strace $0x90000046  }
0xb3: {  	s29 =	simm.s32 $0x9;
	_ =	strace $0x80000048  }
0xb4: {  	_ =	swait.ge [sflag:s29], $0x1  }
0xb5: {  	[sflag:s29] =	ssyncadd.s32 $0xFFFFFFFF  }
0xb6: {  	_ =	strace $0x90000048  }
0xb7: {  	_ =	sfence  }
0xb8: {  	s30 =	sld [smem:$0x0];
	_ =	sdelay $0x2  }
0xb9: {  	s31 =	sshll.u32 s1, $0xD;
	s1 =	sshrl.u32 s1, $0x2  }
0xba: {  	s3 =	sand.u32 $0x4000, s31;
	s1 =	sadd.s32 s1, s30  }
0xbb: {  	s0 =	sor.u32 s3, s0;
	s1 =	sshll.u32 s1, $0x11  }
0xbc: {  	s0 =	sor.u32 s1, s0  }
0xbd: {  	s0 =	sadd.s32 $0x8F2B, s0  }
0xbe: {  	[sflag:s0] =	ssyncadd.remote.s32 $0x1  }
0xbf: {  	_ =	sfence.sel $0xFFFF  }
0xc0: {  	[dreg:$0x0] =	wrdreg $0xFFFFFFFF;
	(pc) =	sbr.abs _section_cstart, $3  }
0xc1: {  	[dreg:$0x1] =	wrdreg $0xFFFFFFFF  }
0xc2: {  	_ =	task.clear_ibuf [dreg:s8], $0x2FFFF;
	_ =	strace $0x9FFFFFFF  }
0xc3: {  	(tm) =	ssettm $0x7FFFFFFF  }
tec
execute0_lowered:
.L_overlay_start_1:
0x0: {  	(tag) =	ssettag $0x1  }
0x1: {  	s2 =	rddreg [dreg:$0x0]  }
0x2: {  	s3 =	rddreg [dreg:$0x1]  }
0x3: {  	s4 =	srdreg.scid;
	s0 =	rddreg [dreg:$0x2]  }
0x4: {  	s1 =	stileid.u32;
	s9 =	simm.s32 $0x2;
	s10 =	simm.s32 $0x1  }
.Ltmp0:
0x5: {  	s11 =	simm.s32 $0x0;
	s5 =	sand.u32 $0x1, s4;
	(pc) =	sbr.rel .LBB2_1-.Ltmp0, $4  }
0x6: {  	s4 =	simm.s32 $0x0;
	s7 =	sshll.u32 s1, $0x1;
	s6 =	ssub.s32 $0x2, s5  }
0x7: {  	[smem:$0x7FF] =	sst s4;
	s5 =	sor.u32 s5, s7;
	s8 =	sshrl.u32 s6, $0x1  }
0x8: {  	s7 =	simm.s32 $0x80;
	_ =	strace $0x80000047;
	s6 =	ssub.s32 s6, s8  }
0x9: {  	v0 =	vimm.s32 $0x0;
	s5 =	smul.u32 $0x139, s5;
	s8 =	simm.s32 $0x400;
	s6 =	smax.u32 s6, $0x1  }
.LBB2_18:
0xa: {  	s11 =	sadd.s32 $0x1, s11  }
0xb: {  	p0 =	sne.s32 s11, s6  }
.Ltmp1:
0xc: {  	_ = 	snop;
	(pc) =	sbr.rel @!p0 .LBB2_19-.Ltmp1, $1  }
0xd: {  	_ =	sdelay $0x3  }
.LBB2_1:
.Ltmp2:
0xe: {  	(pc) =	sbr.rel .LBB2_2-.Ltmp2, $2  }
0xf: {  	_ =	sdelay $0x2  }
0x10: {  	s12 =	simm.s32 $0x0  }
.LBB2_17:
0x11: {  	s12 =	sadd.s32 $0x1, s12  }
0x12: {  	p0 =	sne.s32 s12, $0x139  }
.Ltmp3:
0x13: {  	_ = 	snop;
	(pc) =	sbr.rel @!p0 .LBB2_18-.Ltmp3, $1  }
0x14: {  	_ =	sdelay $0x3  }
.LBB2_2:
0x15: {  	s13 =	sadd.s32 s5, s12  }
0x16: {  	p0 =	sgt.u32 s13, $0x270F  }
.Ltmp4:
0x17: {  	_ = 	snop;
	(pc) =	sbr.rel @p0 .LBB2_17-.Ltmp4, $1  }
0x18: {  	_ =	sdelay $0x3  }
0x19: {  	s14 =	sshrl.u32 s13, $0x3  }
0x1a: {  	s28 =	sshll.u32 s13, $0x7;
	s14 =	smul.u32 $0x13C00, s14  }
0x1b: {  	s13 =	sand.u32 $0x380, s28  }
0x1c: {  	s13 =	sor.u32 s13, s14  }
0x1d: {  	s13 =	sshrl.u32 s13, $0x3  }
0x1e: {  	s15 =	simm.s32 $0x0;
	s29 =	sadd.s32 s2, s13  }
0x1f: {  	[tilespmem:s15], [sflag:$0x2] =	stream.strided.gather [hbm4b:s29+s7], $0x2780, s8, s7, $0x38;
	[tilespmem:$0x2780] =	vst v63  }
0x20: {  	_ =	swait.ge [sflag:s9], $0x2780  }
0x21: {  	[sflag:s9] =	ssyncset.done $0x0  }
0x22: {  	s30 =	simm.s32 $0x0;
	[sflag:s9] =	ssyncadd.s32 $0xFFFFD880  }
0x23: {  	v1 =	vld [tilespmem:s30+$0x0]  }
0x24: {  	v3 =	vld [tilespmem:s30+$0x10]  }
0x25: {  	v4 =	vld [tilespmem:s30+$0x20]  }
0x26: {  	v5 =	vld [tilespmem:s30+$0x30]  }
0x27: {  	v6 =	vld [tilespmem:s30+$0x40]  }
0x28: {  	s31 =	simm.s32 $0x50;
	vm0 =	vge.f32 v1, $3.099999900e+00  }
0x29: {  	v7 =	vimm.s32 $0x0;
	v2 =	vld [tilespmem:s31+$0x0];
	vm12 =	vge.f32 v3, $3.099999900e+00;
	v8 =	vsel vm0, $0x1, v0  }
0x2a: {  	v1 =	vld [tilespmem:s31+$0x10];
	vm13 =	vge.f32 v4, $3.099999900e+00;
	v7 =	vadd.s32 v8, v7;
	v8 =	vsel vm12, $0x1, v0  }
0x2b: {  	v3 =	vld [tilespmem:s31+$0x20];
	vm14 =	vge.f32 v5, $3.099999900e+00;
	v7 =	vadd.s32 v8, v7;
	v8 =	vsel vm13, $0x1, v0  }
0x2c: {  	v4 =	vld [tilespmem:s31+$0x30];
	vm15 =	vge.f32 v6, $3.099999900e+00;
	v7 =	vadd.s32 v8, v7;
	v8 =	vsel vm14, $0x1, v0  }
0x2d: {  	s14 =	simm.s32 $0x280;
	v5 =	vld [tilespmem:s31+$0x40];
	v6 =	vadd.s32 v8, v7;
	v7 =	vsel vm15, $0x1, v0  }
.LBB2_4:
0x2e: {  	s15 =	sshra.s32 s14, $0x2;
	p0 =	sne.s32 s14, $0x9B00;
	s14 =	sadd.s32 $0x140, s14;
	vm0 =	vge.f32 v2, $3.099999900e+00;
	v6 =	vadd.s32 v7, v6  }
.Ltmp5:
0x2f: {  	v2 =	vld [tilespmem:s15+$0x0];
	v7 =	vsel vm0, $0x1, v0;
	vm0 =	vge.f32 v1, $3.099999900e+00;
	(pc) =	sbr.rel @p0 .LBB2_4-.Ltmp5, $4  }
0x30: {  	v1 =	vld [tilespmem:s15+$0x10];
	v6 =	vadd.s32 v7, v6;
	v7 =	vsel vm0, $0x1, v0;
	vm0 =	vge.f32 v3, $3.099999900e+00  }
0x31: {  	v3 =	vld [tilespmem:s15+$0x20];
	v6 =	vadd.s32 v7, v6;
	v7 =	vsel vm0, $0x1, v0;
	vm0 =	vge.f32 v4, $3.099999900e+00  }
0x32: {  	v4 =	vld [tilespmem:s15+$0x30];
	v6 =	vadd.s32 v7, v6;
	v7 =	vsel vm0, $0x1, v0;
	vm0 =	vge.f32 v5, $3.099999900e+00  }
0x33: {  	v5 =	vld [tilespmem:s15+$0x40];
	v6 =	vadd.s32 v7, v6;
	v7 =	vsel vm0, $0x1, v0  }
0x34: {  	vm0 =	vge.f32 v2, $3.099999900e+00  }
0x35: {  	v2 =	vadd.s32 v7, v6;
	v6 =	vsel vm0, $0x1, v0;
	vm7 =	vge.f32 v1, $3.099999900e+00  }
0x36: {  	v1 =	vadd.s32 v6, v2;
	v2 =	vsel vm7, $0x1, v0;
	vm8 =	vge.f32 v3, $3.099999900e+00  }
0x37: {  	v1 =	vadd.s32 v2, v1;
	v2 =	vsel vm8, $0x1, v0;
	vm9 =	vge.f32 v4, $3.099999900e+00  }
0x38: {  	v1 =	vadd.s32 v2, v1;
	v2 =	vsel vm9, $0x1, v0;
	vm10 =	vge.f32 v5, $3.099999900e+00  }
0x39: {  	v1 =	vadd.s32 v2, v1;
	v2 =	vsel vm10, $0x1, v0  }
0x3a: {  	v1 =	vadd.s32 v2, v1  }
0x3b: {  	(v2sf) =	vpush v1, $0x0  }
0x3c: {  	(v2sf) =	vpush v1, $0x1  }
0x3d: {  	(v2sf) =	vpush v1, $0x2  }
0x3e: {  	(v2sf) =	vpush v1, $0x3  }
0x3f: {  	(v2sf) =	vpush v1, $0x4  }
0x40: {  	(v2sf) =	vpush v1, $0x5  }
0x41: {  	(v2sf) =	vpush v1, $0x6  }
0x42: {  	(v2sf) =	vpush v1, $0x7  }
0x43: {  	(v2sf) =	vpush v1, $0x8  }
0x44: {  	(v2sf) =	vpush v1, $0x9  }
0x45: {  	(v2sf) =	vpush v1, $0xA  }
0x46: {  	(v2sf) =	vpush v1, $0xB  }
0x47: {  	(v2sf) =	vpush v1, $0xC  }
0x48: {  	(v2sf) =	vpush v1, $0xD  }
0x49: {  	(v2sf) =	vpush v1, $0xE  }
0x4a: {  	s14 =	spop (v2sf);
	(v2sf) =	vpush v1, $0xF  }
0x4b: {  	s15 =	spop (v2sf)  }
0x4c: {  	s16 =	spop (v2sf);
	s14 =	sadd.s32 s15, s14  }
0x4d: {  	s18 =	spop (v2sf);
	s14 =	sadd.s32 s16, s14  }
0x4e: {  	s19 =	spop (v2sf);
	s14 =	sadd.s32 s18, s14  }
0x4f: {  	s20 =	spop (v2sf);
	s14 =	sadd.s32 s19, s14  }
0x50: {  	s21 =	spop (v2sf);
	s14 =	sadd.s32 s20, s14  }
0x51: {  	s22 =	spop (v2sf);
	s14 =	sadd.s32 s21, s14  }
0x52: {  	s23 =	spop (v2sf);
	s14 =	sadd.s32 s22, s14  }
0x53: {  	s24 =	spop (v2sf);
	s14 =	sadd.s32 s23, s14  }
0x54: {  	s25 =	spop (v2sf);
	s14 =	sadd.s32 s24, s14  }
0x55: {  	s26 =	spop (v2sf);
	s14 =	sadd.s32 s25, s14  }
0x56: {  	s28 =	spop (v2sf);
	s14 =	sadd.s32 s26, s14  }
0x57: {  	s29 =	spop (v2sf);
	s14 =	sadd.s32 s28, s14  }
0x58: {  	s30 =	spop (v2sf);
	s14 =	sadd.s32 s29, s14  }
0x59: {  	s14 =	sadd.s32 s30, s14;
	s31 =	spop (v2sf)  }
0x5a: {  	s15 =	sadd.s32 s31, s14  }
0x5b: {  	s17 =	simm.s32 $0x0;
	s14 =	simm.s32 $0x40466666;
	p0 =	sgt.s32 s15, $0x1F  }
0x5c: {  	v2 =	vld [tilespmem:s17+$0x0];
	s14 =	simm.s32 @!p0 $0x0  }
0x5d: {  	v4 =	vld [tilespmem:s17+$0x10];
	s16 =	smax.u32 s14, $0x401CCCCD  }
0x5e: {  	v5 =	vld [tilespmem:s17+$0x20];
	v1 =	vmov s16  }
0x5f: {  	v6 =	vld [tilespmem:s17+$0x30];
	v1 =	vbroadcast v1, $0x0  }
0x60: {  	v7 =	vld [tilespmem:s17+$0x40]  }
0x61: {  	s18 =	simm.s32 $0x50;
	vm11 =	vge.f32 v2, v1  }
0x62: {  	v8 =	vimm.s32 $0x0;
	v3 =	vld [tilespmem:s18+$0x0];
	vm12 =	vge.f32 v4, v1;
	v9 =	vsel vm11, $0x1, v0  }
0x63: {  	v2 =	vld [tilespmem:s18+$0x10];
	vm13 =	vge.f32 v5, v1;
	v8 =	vadd.s32 v9, v8;
	v9 =	vsel vm12, $0x1, v0  }
0x64: {  	v4 =	vld [tilespmem:s18+$0x20];
	vm14 =	vge.f32 v6, v1;
	v8 =	vadd.s32 v9, v8;
	v9 =	vsel vm13, $0x1, v0  }
0x65: {  	v5 =	vld [tilespmem:s18+$0x30];
	vm15 =	vge.f32 v7, v1;
	v8 =	vadd.s32 v9, v8;
	v9 =	vsel vm14, $0x1, v0  }
0x66: {  	s17 =	simm.s32 $0x280;
	v6 =	vld [tilespmem:s18+$0x40];
	v7 =	vadd.s32 v9, v8;
	v8 =	vsel vm15, $0x1, v0  }
.LBB2_6:
0x67: {  	s18 =	sshra.s32 s17, $0x2;
	p1 =	sne.s32 s17, $0x9B00;
	s17 =	sadd.s32 $0x140, s17;
	vm0 =	vge.f32 v3, v1;
	v7 =	vadd.s32 v8, v7  }
.Ltmp6:
0x68: {  	v3 =	vld [tilespmem:s18+$0x0];
	v8 =	vsel vm0, $0x1, v0;
	vm0 =	vge.f32 v2, v1;
	(pc) =	sbr.rel @p1 .LBB2_6-.Ltmp6, $4  }
0x69: {  	v2 =	vld [tilespmem:s18+$0x10];
	v7 =	vadd.s32 v8, v7;
	v8 =	vsel vm0, $0x1, v0;
	vm0 =	vge.f32 v4, v1  }
0x6a: {  	v4 =	vld [tilespmem:s18+$0x20];
	v7 =	vadd.s32 v8, v7;
	v8 =	vsel vm0, $0x1, v0;
	vm0 =	vge.f32 v5, v1  }
0x6b: {  	v5 =	vld [tilespmem:s18+$0x30];
	v7 =	vadd.s32 v8, v7;
	v8 =	vsel vm0, $0x1, v0;
	vm0 =	vge.f32 v6, v1  }
0x6c: {  	v6 =	vld [tilespmem:s18+$0x40];
	v7 =	vadd.s32 v8, v7;
	v8 =	vsel vm0, $0x1, v0  }
0x6d: {  	vm0 =	vge.f32 v3, v1  }
0x6e: {  	v3 =	vadd.s32 v8, v7;
	v63 =	vsel vm0, $0x1, v0;
	vm12 =	vge.f32 v2, v1  }
0x6f: {  	v2 =	vadd.s32 v63, v3;
	v3 =	vsel vm12, $0x1, v0;
	vm13 =	vge.f32 v4, v1  }
0x70: {  	v2 =	vadd.s32 v3, v2;
	v3 =	vsel vm13, $0x1, v0;
	vm14 =	vge.f32 v5, v1  }
0x71: {  	v2 =	vadd.s32 v3, v2;
	v3 =	vsel vm14, $0x1, v0;
	vm15 =	vge.f32 v6, v1  }
0x72: {  	v1 =	vadd.s32 v3, v2;
	v2 =	vsel vm15, $0x1, v0  }
0x73: {  	v1 =	vadd.s32 v2, v1  }
0x74: {  	(v2sf) =	vpush v1, $0x0  }
0x75: {  	(v2sf) =	vpush v1, $0x1  }
0x76: {  	(v2sf) =	vpush v1, $0x2  }
0x77: {  	(v2sf) =	vpush v1, $0x3  }
0x78: {  	(v2sf) =	vpush v1, $0x4  }
0x79: {  	(v2sf) =	vpush v1, $0x5  }
0x7a: {  	(v2sf) =	vpush v1, $0x6  }
0x7b: {  	(v2sf) =	vpush v1, $0x7  }
0x7c: {  	(v2sf) =	vpush v1, $0x8  }
0x7d: {  	(v2sf) =	vpush v1, $0x9  }
0x7e: {  	(v2sf) =	vpush v1, $0xA  }
0x7f: {  	(v2sf) =	vpush v1, $0xB  }
0x80: {  	(v2sf) =	vpush v1, $0xC  }
0x81: {  	(v2sf) =	vpush v1, $0xD  }
0x82: {  	(v2sf) =	vpush v1, $0xE  }
0x83: {  	s17 =	spop (v2sf);
	(v2sf) =	vpush v1, $0xF  }
0x84: {  	s18 =	spop (v2sf)  }
0x85: {  	s19 =	spop (v2sf);
	s17 =	sadd.s32 s18, s17  }
0x86: {  	s30 =	spop (v2sf);
	s17 =	sadd.s32 s19, s17  }
0x87: {  	s31 =	spop (v2sf);
	s17 =	sadd.s32 s30, s17  }
0x88: {  	s20 =	spop (v2sf);
	s17 =	sadd.s32 s31, s17  }
0x89: {  	s21 =	spop (v2sf);
	s17 =	sadd.s32 s20, s17  }
0x8a: {  	s22 =	spop (v2sf);
	s17 =	sadd.s32 s21, s17  }
0x8b: {  	s23 =	spop (v2sf);
	s17 =	sadd.s32 s22, s17  }
0x8c: {  	s24 =	spop (v2sf);
	s17 =	sadd.s32 s23, s17  }
0x8d: {  	s25 =	spop (v2sf);
	s17 =	sadd.s32 s24, s17  }
0x8e: {  	s26 =	spop (v2sf);
	s17 =	sadd.s32 s25, s17  }
0x8f: {  	s28 =	spop (v2sf);
	s17 =	sadd.s32 s26, s17  }
0x90: {  	s29 =	spop (v2sf);
	s17 =	sadd.s32 s28, s17  }
0x91: {  	s30 =	spop (v2sf);
	s17 =	sadd.s32 s29, s17  }
.Ltmp7:
0x92: {  	s17 =	sadd.s32 s30, s17;
	s31 =	spop (v2sf);
	(pc) =	sbr.rel .LBB2_8-.Ltmp7, $4  }
0x93: {  	s17 =	sadd.s32 s31, s17  }
0x94: {  	s19 =	simm.s32 $0x7F800000;
	p1 =	sgt.s32 s17, $0x1F  }
0x95: {  	s15 =	simm.s32 @!p0 $0x2710;
	s19 =	simm.s32 @!p0 $0x40466666;
	s14 =	smov.u32 @p1 s16  }
0x96: {  	s16 =	smov.u32 @p1 s19;
	s15 =	smov.u32 @p1 s17;
	s17 =	simm.s32 $0x0  }
.LBB2_9:
0x97: {  	s14 =	smov.u32 @p0 s14;
	s16 =	smov.u32 @p0 s16;
	s15 =	smov.u32 @p0 s15  }
.LBB2_13:
0x98: {  	s17 =	sadd.s32 $0x1, s17  }
0x99: {  	p0 =	sne.s32 s17, $0x1F  }
.Ltmp8:
0x9a: {  	_ = 	snop;
	(pc) =	sbr.rel @!p0 .LBB2_14-.Ltmp8, $1  }
0x9b: {  	_ =	sdelay $0x3  }
.LBB2_8:
0x9c: {  	p0 =	seq.s32 s15, $0x20;
	s18 =	ssub.s32 s16, s14  }
0x9d: {  	p1 =	slt.s32 @!p0 s18, $0x2  }
0x9e: {  	p1 =	por p0, p1  }
.Ltmp9:
0x9f: {  	_ = 	snop;
	(pc) =	sbr.rel @p1 .LBB2_9-.Ltmp9, $1  }
0xa0: {  	_ =	sdelay $0x3  }
0xa1: {  	s19 =	simm.s32 $0x0  }
0xa2: {  	s18 =	sshrl.u32 s18, $0x1;
	v2 =	vld [tilespmem:s19+$0x0]  }
0xa3: {  	s18 =	sadd.s32 s14, s18;
	v4 =	vld [tilespmem:s19+$0x10]  }
0xa4: {  	v5 =	vld [tilespmem:s19+$0x20];
	v1 =	vmov s18  }
0xa5: {  	v6 =	vld [tilespmem:s19+$0x30];
	v1 =	vbroadcast v1, $0x0  }
0xa6: {  	v7 =	vld [tilespmem:s19+$0x40]  }
0xa7: {  	s20 =	simm.s32 $0x50;
	vm0 =	vge.f32 v2, v1  }
0xa8: {  	v8 =	vimm.s32 $0x0;
	v3 =	vld [tilespmem:s20+$0x0];
	vm12 =	vge.f32 v4, v1;
	v9 =	vsel vm0, $0x1, v0  }
0xa9: {  	v2 =	vld [tilespmem:s20+$0x10];
	vm13 =	vge.f32 v5, v1;
	v8 =	vadd.s32 v9, v8;
	v9 =	vsel vm12, $0x1, v0  }
0xaa: {  	v4 =	vld [tilespmem:s20+$0x20];
	vm14 =	vge.f32 v6, v1;
	v8 =	vadd.s32 v9, v8;
	v9 =	vsel vm13, $0x1, v0  }
0xab: {  	v5 =	vld [tilespmem:s20+$0x30];
	vm15 =	vge.f32 v7, v1;
	v8 =	vadd.s32 v9, v8;
	v9 =	vsel vm14, $0x1, v0  }
0xac: {  	s19 =	simm.s32 $0x280;
	v6 =	vld [tilespmem:s20+$0x40];
	v7 =	vadd.s32 v9, v8;
	v8 =	vsel vm15, $0x1, v0  }
.LBB2_11:
0xad: {  	s20 =	sshra.s32 s19, $0x2;
	p0 =	sne.s32 s19, $0x9B00;
	s19 =	sadd.s32 $0x140, s19;
	vm0 =	vge.f32 v3, v1;
	v7 =	vadd.s32 v8, v7  }
.Ltmp10:
0xae: {  	v3 =	vld [tilespmem:s20+$0x0];
	v8 =	vsel vm0, $0x1, v0;
	vm0 =	vge.f32 v2, v1;
	(pc) =	sbr.rel @p0 .LBB2_11-.Ltmp10, $4  }
0xaf: {  	v2 =	vld [tilespmem:s20+$0x10];
	v7 =	vadd.s32 v8, v7;
	v8 =	vsel vm0, $0x1, v0;
	vm0 =	vge.f32 v4, v1  }
0xb0: {  	v4 =	vld [tilespmem:s20+$0x20];
	v7 =	vadd.s32 v8, v7;
	v8 =	vsel vm0, $0x1, v0;
	vm0 =	vge.f32 v5, v1  }
0xb1: {  	v5 =	vld [tilespmem:s20+$0x30];
	v7 =	vadd.s32 v8, v7;
	v8 =	vsel vm0, $0x1, v0;
	vm0 =	vge.f32 v6, v1  }
0xb2: {  	v6 =	vld [tilespmem:s20+$0x40];
	v7 =	vadd.s32 v8, v7;
	v8 =	vsel vm0, $0x1, v0  }
0xb3: {  	vm0 =	vge.f32 v3, v1  }
0xb4: {  	v3 =	vadd.s32 v8, v7;
	v63 =	vsel vm0, $0x1, v0;
	vm12 =	vge.f32 v2, v1  }
0xb5: {  	v2 =	vadd.s32 v63, v3;
	v3 =	vsel vm12, $0x1, v0;
	vm13 =	vge.f32 v4, v1  }
0xb6: {  	v2 =	vadd.s32 v3, v2;
	v3 =	vsel vm13, $0x1, v0;
	vm14 =	vge.f32 v5, v1  }
0xb7: {  	v2 =	vadd.s32 v3, v2;
	v3 =	vsel vm14, $0x1, v0;
	vm15 =	vge.f32 v6, v1  }
0xb8: {  	v1 =	vadd.s32 v3, v2;
	v2 =	vsel vm15, $0x1, v0  }
0xb9: {  	v1 =	vadd.s32 v2, v1  }
0xba: {  	(v2sf) =	vpush v1, $0x0  }
0xbb: {  	(v2sf) =	vpush v1, $0x1  }
0xbc: {  	(v2sf) =	vpush v1, $0x2  }
0xbd: {  	(v2sf) =	vpush v1, $0x3  }
0xbe: {  	(v2sf) =	vpush v1, $0x4  }
0xbf: {  	(v2sf) =	vpush v1, $0x5  }
0xc0: {  	(v2sf) =	vpush v1, $0x6  }
0xc1: {  	(v2sf) =	vpush v1, $0x7  }
0xc2: {  	(v2sf) =	vpush v1, $0x8  }
0xc3: {  	(v2sf) =	vpush v1, $0x9  }
0xc4: {  	(v2sf) =	vpush v1, $0xA  }
0xc5: {  	(v2sf) =	vpush v1, $0xB  }
0xc6: {  	(v2sf) =	vpush v1, $0xC  }
0xc7: {  	(v2sf) =	vpush v1, $0xD  }
0xc8: {  	(v2sf) =	vpush v1, $0xE  }
0xc9: {  	s19 =	spop (v2sf);
	(v2sf) =	vpush v1, $0xF  }
0xca: {  	s20 =	spop (v2sf)  }
0xcb: {  	s19 =	sadd.s32 s20, s19;
	s28 =	spop (v2sf)  }
0xcc: {  	s19 =	sadd.s32 s28, s19;
	s29 =	spop (v2sf)  }
0xcd: {  	s19 =	sadd.s32 s29, s19;
	s30 =	spop (v2sf)  }
0xce: {  	s19 =	sadd.s32 s30, s19;
	s31 =	spop (v2sf)  }
0xcf: {  	s19 =	sadd.s32 s31, s19;
	s21 =	spop (v2sf)  }
0xd0: {  	s19 =	sadd.s32 s21, s19;
	s22 =	spop (v2sf)  }
0xd1: {  	s19 =	sadd.s32 s22, s19;
	s23 =	spop (v2sf)  }
0xd2: {  	s19 =	sadd.s32 s23, s19;
	s24 =	spop (v2sf)  }
0xd3: {  	s19 =	sadd.s32 s24, s19;
	s25 =	spop (v2sf)  }
0xd4: {  	s19 =	sadd.s32 s25, s19;
	s26 =	spop (v2sf)  }
0xd5: {  	s19 =	sadd.s32 s26, s19;
	s28 =	spop (v2sf)  }
0xd6: {  	s19 =	sadd.s32 s28, s19;
	s29 =	spop (v2sf)  }
0xd7: {  	s19 =	sadd.s32 s29, s19;
	s30 =	spop (v2sf)  }
.Ltmp11:
0xd8: {  	s19 =	sadd.s32 s30, s19;
	s31 =	spop (v2sf);
	(pc) =	sbr.rel .LBB2_13-.Ltmp11, $4  }
0xd9: {  	s19 =	sadd.s32 s31, s19  }
0xda: {  	p0 =	sgt.s32 s19, $0x1F  }
0xdb: {  	s14 =	smov.u32 @p0 s18;
	s18 =	smov.u32 @p0 s16  }
0xdc: {  	s15 =	smov.u32 @p0 s19;
	s16 =	smov.u32 s18  }
.LBB2_14:
0xdd: {  	s15 =	simm.s32 $0x0  }
0xde: {  	v5 =	vld [tilespmem:s15+$0x0]  }
0xdf: {  	v4 =	vld [tilespmem:s15+$0x10]  }
0xe0: {  	v1 =	vmov s14;
	v3 =	vld [tilespmem:s15+$0x20]  }
0xe1: {  	s14 =	simm.s32 $0x140;
	v1 =	vbroadcast v1, $0x0;
	v2 =	vld [tilespmem:s15+$0x30]  }
.LBB2_15:
0xe2: {  	p0 =	sne.s32 s14, $0x9B00;
	v6 =	vld [tilespmem:s15+$0x40]  }
0xe3: {  	vm0 =	vge.f32 v5, v1  }
0xe4: {  	v5 =	vnsel vm0, $0x0, v5;
	vm0 =	vge.f32 v4, v1  }
.Ltmp12:
0xe5: {  	s16 =	sshra.s32 s14, $0x2;
	[tilespmem:s15+$0x0] =	vst v5;
	v4 =	vnsel vm0, $0x0, v4;
	vm0 =	vge.f32 v3, v1;
	(pc) =	sbr.rel @p0 .LBB2_15-.Ltmp12, $4  }
0xe6: {  	v5 =	vld [tilespmem:s16+$0x0];
	[tilespmem:s15+$0x10] =	vst v4;
	v3 =	vnsel vm0, $0x0, v3;
	vm0 =	vge.f32 v2, v1  }
0xe7: {  	v4 =	vld [tilespmem:s16+$0x10];
	[tilespmem:s15+$0x20] =	vst v3;
	v2 =	vnsel vm0, $0x0, v2;
	vm0 =	vge.f32 v6, v1  }
0xe8: {  	v3 =	vld [tilespmem:s16+$0x20];
	[tilespmem:s15+$0x30] =	vst v2;
	v6 =	vnsel vm0, $0x0, v6  }
0xe9: {  	s14 =	sadd.s32 $0x140, s14;
	v2 =	vld [tilespmem:s16+$0x30];
	[tilespmem:s15+$0x40] =	vst v6;
	s15 =	smov.u32 s16  }
0xea: {  	v6 =	vld [tilespmem:s15+$0x40]  }
0xeb: {  	vm0 =	vge.f32 v5, v1  }
0xec: {  	v5 =	vnsel vm0, $0x0, v5;
	vm12 =	vge.f32 v4, v1  }
0xed: {  	[tilespmem:s15+$0x0] =	vst v5;
	v4 =	vnsel vm12, $0x0, v4;
	vm13 =	vge.f32 v3, v1  }
0xee: {  	[tilespmem:s15+$0x10] =	vst v4;
	v3 =	vnsel vm13, $0x0, v3;
	vm14 =	vge.f32 v2, v1  }
0xef: {  	[tilespmem:s15+$0x20] =	vst v3;
	v2 =	vnsel vm14, $0x0, v2;
	vm15 =	vge.f32 v6, v1  }
0xf0: {  	[tilespmem:s15+$0x30] =	vst v2;
	v1 =	vnsel vm15, $0x0, v6  }
.Ltmp13:
0xf1: {  	s13 =	sadd.s32 s3, s13;
	[tilespmem:s15+$0x40] =	vst v1;
	(pc) =	sbr.rel .LBB2_17-.Ltmp13, $4  }
0xf2: {  	[hbm4b:s13+s7] =	stream.strided.scatter [tilespmem:s4], [sflag:$0x1], $0x2780, s8, s7, $0x38;
	[tilespmem:$0x2780] =	vst v63  }
0xf3: {  	_ =	swait.ge [sflag:s10], $0x2780  }
0xf4: {  	[sflag:s10] =	ssyncset.done $0x0  }
0xf5: {  	[sflag:s10] =	ssyncadd.s32 $0xFFFFD880  }
.LBB2_19:
0xf6: {  	_ =	sfence.sel $0x180000  }
0xf7: {  	[bflag:$0x0] =	sbarrier.arrive $0xFFFF  }
0xf8: {  	p0 =	sne.s32 s1, $0x0;
	_ =	strace $0x90000047  }
0xf9: {  	s0 =	sadd.s32 @!p0 $0x100000, s0;
	[bflag:$0x2] =	sbarrier.arrive $0xFFFF  }
0xfa: {  	[sflag:s0] =	ssyncadd.tile.s32 @!p0 $0x1;
	_ =	shalt  }
.Lfunc_end2:
_tile_overlayer_lowered:
.L_overlay_start_2:
0xfb: {  	(tag) =	ssettag $0x2  }
0xfc: {  	s0 =	rddreg [dreg:$0x0];
	s2 =	stileid.u32  }
0xfd: {  	s1 =	rddreg [dreg:$0x1];
	p0 =	sne.s32 s2, $0x0  }
0xfe: {  	s3 =	rddreg [dreg:$0x2];
	[bflag:$0x3] =	sbarrier.arrive $0xFFFF;
	s2 =	simm.s32 @!p0 $0x1C01  }
0xff: {  	[timem:s3], [sflag:s2] =	dma.local @!p0 [hbm:s0], s1  }
0x100: {  	s0 =	simm.s32 @!p0 $0x1  }
0x101: {  	_ =	swait.ge @!p0 [sflag:s0], s1  }
0x102: {  	s1 =	ssub.s32 @!p0 $0x0, s1;
	[sflag:s0] =	ssyncset.done @!p0 $0x0  }
0x103: {  	[sflag:s0] =	ssyncadd.s32 @!p0 s1  }
0x104: {  	[bflag:$0x3] =	sbarrier.arrive $0xFFFF  }
0x105: {  	_ =	shalt  }

</sc_bundles>
